<compile_context>
chip_gen: v7x
topology: tpu7x:2x2x1
jax: 0.10.2.dev20260603
libtpu: 0.0.44.dev20260713+nightly
codegen_flags: <defaults>
</compile_context>

<pallas_src>
import functools

import jax
import jax.numpy as jnp
from jax import lax
from jax.experimental import pallas as pl
from jax.experimental.pallas import tpu as pltpu
from jax.experimental.pallas import tpu_sc as plsc

N = 10000
D = 128
E = 320000

NC = 2
NS = 16
NW = NC * NS
K = 128
NCHUNK = E // K
BASE_CH = NCHUNK // NW
EXTRA = NCHUNK - BASE_CH * NW
NP = 10112
RPT = NP // NS
ZR = 10240

DEPTH = 10
NROWS = 10
NITER = BASE_CH // DEPTH
EPI = BASE_CH - NITER * DEPTH


def _scale_body(h_ref, n_ref, o_ref, z_ref):
    o_ref[...] = (h_ref[...] * n_ref[...]).astype(jnp.bfloat16)
    z_ref[...] = jnp.zeros_like(z_ref)


def _combine_body(p_ref, n_ref, o_ref):
    s = (p_ref[0].astype(jnp.float32) + p_ref[1].astype(jnp.float32)) * n_ref[...]
    o_ref[:, :D] = s
    o_ref[:, D:] = s


def _sc_body(edge_hbm, hn_hbm, zero_hbm, out_hbm, *scratch):
    idx = scratch[0:DEPTH]
    rows = scratch[DEPTH:DEPTH + NROWS]
    acc_sh = scratch[DEPTH + NROWS]
    sems = scratch[DEPTH + NROWS + 1:]
    isem = sems[0:DEPTH]
    gsem = sems[DEPTH:DEPTH + NROWS]
    ssem = sems[DEPTH + NROWS:DEPTH + 2 * NROWS]

    cid = lax.axis_index("c")
    sid = lax.axis_index("s")
    wid = sid * NC + cid

    pltpu.sync_copy(zero_hbm.at[pl.ds(sid * RPT, RPT)],
                    acc_sh.at[pl.ds(sid * RPT, RPT)])
    plsc.subcore_barrier()

    def load_idx(chunk, i):
        base = (chunk * NW + wid) * K
        return pltpu.async_copy(edge_hbm.at[:, pl.ds(base, K)],
                                idx[i], isem[i])

    def run_group(chunk0, n):
        di = [load_idx(chunk0 + i, i) for i in range(n)]
        dg = [None] * n
        ds_ = [None] * n
        for i in range(n):
            di[i].wait()
            dg[i] = pltpu.async_copy(hn_hbm.at[idx[i].at[0]], rows[i],
                                     gsem[i])
        for i in range(n):
            dg[i].wait()
            ds_[i] = pltpu.async_copy(rows[i], acc_sh.at[idx[i].at[1]],
                                      ssem[i], add=True)
        for i in range(n):
            ds_[i].wait()

    def body(k, carry):
        run_group(k * DEPTH, DEPTH)
        return carry

    lax.fori_loop(0, NITER, body, 0)
    run_group(NITER * DEPTH, EPI)

    @pl.when(wid < EXTRA)
    def _tail():
        base = (BASE_CH * NW + wid) * K
        pltpu.sync_copy(edge_hbm.at[:, pl.ds(base, K)], idx[0])
        pltpu.async_copy(hn_hbm.at[idx[0].at[0]], rows[0], gsem[0]).wait()
        pltpu.sync_copy(rows[0], acc_sh.at[idx[0].at[1]], add=True)

    plsc.subcore_barrier()
    pltpu.sync_copy(acc_sh.at[pl.ds(sid * RPT, RPT)],
                    out_hbm.at[cid, pl.ds(sid * RPT, RPT)])


def kernel(edge_index, h, e, norm):
    hn, zeros = pl.pallas_call(
        _scale_body,
        grid=(5,),
        in_specs=[pl.BlockSpec((N // 5, D), lambda i: (i, 0)),
                  pl.BlockSpec((N // 5, 1), lambda i: (i, 0))],
        out_specs=[pl.BlockSpec((N // 5, D), lambda i: (i, 0)),
                   pl.BlockSpec((ZR // 5, D), lambda i: (i, 0))],
        out_shape=[jax.ShapeDtypeStruct((N, D), jnp.bfloat16),
                   jax.ShapeDtypeStruct((ZR, D), jnp.bfloat16)],
    )(h, norm)

    mesh = plsc.VectorSubcoreMesh(core_axis_name="c", subcore_axis_name="s")
    sc_fn = pl.kernel(
        _sc_body,
        out_type=jax.ShapeDtypeStruct((NC, NP, D), jnp.bfloat16),
        mesh=mesh,
        compiler_params=pltpu.CompilerParams(use_tc_tiling_on_sc=False),
        scratch_types=(
            [pltpu.VMEM((2, K), jnp.int32) for _ in range(DEPTH)]
            + [pltpu.VMEM((K, D), jnp.bfloat16) for _ in range(NROWS)]
            + [pltpu.VMEM_SHARED((NP, D), jnp.bfloat16)]
            + [pltpu.SemaphoreType.DMA for _ in range(DEPTH + 2 * NROWS)]
        ),
    )
    partials = sc_fn(edge_index, hn, zeros)

    out = pl.pallas_call(
        _combine_body,
        grid=(5,),
        in_specs=[pl.BlockSpec((NC, N // 5, D), lambda i: (0, i, 0)),
                  pl.BlockSpec((N // 5, 1), lambda i: (i, 0))],
        out_specs=pl.BlockSpec((N // 5, 2 * D), lambda i: (i, 0)),
        out_shape=jax.ShapeDtypeStruct((N, 2 * D), jnp.float32),
    )(partials, norm)
    return out, e

# --- scband reference (transcript-rebuilt; emitter-appended) ---
"""Pipeline reference for scband-activation-gatlayer-isotropic-83476984365549 (READ-ONLY COPY).

The authoritative reference and input builder live on the scoring server;
editing this copy changes nothing except your own understanding.
"""

import jax, jax.numpy as jnp
import numpy as np

NUM_NODES = 10000
NUM_EDGES = 320000
D_FEAT = 128
D_EDGE = 4
NUM_HEADS = 2
MERGE_TYPE = 'cat'


def setup_inputs(seed: int = 0) -> dict:
    key = jax.random.key(seed)
    k1, k2, k3, k4 = jax.random.split(key, 4)
    edge_index = jax.random.randint(k1, (2, NUM_EDGES), 0, NUM_NODES, dtype=jnp.int64 if jax.config.jax_enable_x64 else jnp.int32).astype(jnp.int32)
    h = jax.random.normal(k2, (NUM_NODES, D_FEAT), dtype=jnp.float32)
    e = jax.random.normal(k3, (NUM_EDGES, D_EDGE), dtype=jnp.float32)
    norm = jax.random.uniform(k4, (NUM_NODES, 1), dtype=jnp.float32)
    return {'edge_index': edge_index, 'h': h, 'e': e, 'norm': norm}


def reference(edge_index, h, e, norm):
    # h = h * norm
    h = h * norm
    src = edge_index[0]
    dst = edge_index[1]
    head_outs = []
    for _ in range(NUM_HEADS):
        # message_func: z = src node features; reduce_func: sum over mailbox
        z_src = jnp.take(h, src, axis=0)                       # gather [E, d]
        agg = jax.ops.segment_sum(z_src, dst, num_segments=NUM_NODES)  # scatter-add [N, d]
        # batch_norm=False, activation=None, dropout=0.0 -> identity
        h_temp = agg * norm
        head_outs.append(h_temp)
    if MERGE_TYPE == 'cat':
        h_out = jnp.concatenate(head_outs, axis=1)
    else:
        h_out = jnp.mean(jnp.stack(head_outs))
    return (h_out, e)

if __name__ == "__main__":
    import jax
    _d = setup_inputs()
    print(jax.jit(kernel)(*tuple(_d.values())))

</pallas_src>

<mosaic_0001>
#map = affine_map<(d0, d1) -> (0, 0)>
#map1 = affine_map<(d0, d1) -> (0, 0, 0)>
module attributes {stable_mosaic.version = 14 : i64} {
  func.func @_sc_body(%arg0: i32, %arg1: i32, %arg2: memref<2x320000xi32, #tpu.memory_space<hbm>>, %arg3: memref<10000x128xbf16, #tpu.memory_space<hbm>>, %arg4: memref<10240x128xbf16, #tpu.memory_space<hbm>>, %arg5: memref<2x10112x128xbf16, #tpu.memory_space<hbm>>, %arg6: memref<2x128xi32, #tpu.memory_space<vmem>>, %arg7: memref<2x128xi32, #tpu.memory_space<vmem>>, %arg8: memref<2x128xi32, #tpu.memory_space<vmem>>, %arg9: memref<2x128xi32, #tpu.memory_space<vmem>>, %arg10: memref<2x128xi32, #tpu.memory_space<vmem>>, %arg11: memref<2x128xi32, #tpu.memory_space<vmem>>, %arg12: memref<2x128xi32, #tpu.memory_space<vmem>>, %arg13: memref<2x128xi32, #tpu.memory_space<vmem>>, %arg14: memref<2x128xi32, #tpu.memory_space<vmem>>, %arg15: memref<2x128xi32, #tpu.memory_space<vmem>>, %arg16: memref<128x128xbf16, #tpu.memory_space<vmem>>, %arg17: memref<128x128xbf16, #tpu.memory_space<vmem>>, %arg18: memref<128x128xbf16, #tpu.memory_space<vmem>>, %arg19: memref<128x128xbf16, #tpu.memory_space<vmem>>, %arg20: memref<128x128xbf16, #tpu.memory_space<vmem>>, %arg21: memref<128x128xbf16, #tpu.memory_space<vmem>>, %arg22: memref<128x128xbf16, #tpu.memory_space<vmem>>, %arg23: memref<128x128xbf16, #tpu.memory_space<vmem>>, %arg24: memref<128x128xbf16, #tpu.memory_space<vmem>>, %arg25: memref<128x128xbf16, #tpu.memory_space<vmem>>, %arg26: memref<10112x128xbf16, #tpu.memory_space<vmem_shared>>, %arg27: memref<!tpu.dma_semaphore, #tpu.memory_space<semaphore_mem>>, %arg28: memref<!tpu.dma_semaphore, #tpu.memory_space<semaphore_mem>>, %arg29: memref<!tpu.dma_semaphore, #tpu.memory_space<semaphore_mem>>, %arg30: memref<!tpu.dma_semaphore, #tpu.memory_space<semaphore_mem>>, %arg31: memref<!tpu.dma_semaphore, #tpu.memory_space<semaphore_mem>>, %arg32: memref<!tpu.dma_semaphore, #tpu.memory_space<semaphore_mem>>, %arg33: memref<!tpu.dma_semaphore, #tpu.memory_space<semaphore_mem>>, %arg34: memref<!tpu.dma_semaphore, #tpu.memory_space<semaphore_mem>>, %arg35: memref<!tpu.dma_semaphore, #tpu.memory_space<semaphore_mem>>, %arg36: memref<!tpu.dma_semaphore, #tpu.memory_space<semaphore_mem>>, %arg37: memref<!tpu.dma_semaphore, #tpu.memory_space<semaphore_mem>>, %arg38: memref<!tpu.dma_semaphore, #tpu.memory_space<semaphore_mem>>, %arg39: memref<!tpu.dma_semaphore, #tpu.memory_space<semaphore_mem>>, %arg40: memref<!tpu.dma_semaphore, #tpu.memory_space<semaphore_mem>>, %arg41: memref<!tpu.dma_semaphore, #tpu.memory_space<semaphore_mem>>, %arg42: memref<!tpu.dma_semaphore, #tpu.memory_space<semaphore_mem>>, %arg43: memref<!tpu.dma_semaphore, #tpu.memory_space<semaphore_mem>>, %arg44: memref<!tpu.dma_semaphore, #tpu.memory_space<semaphore_mem>>, %arg45: memref<!tpu.dma_semaphore, #tpu.memory_space<semaphore_mem>>, %arg46: memref<!tpu.dma_semaphore, #tpu.memory_space<semaphore_mem>>, %arg47: memref<!tpu.dma_semaphore, #tpu.memory_space<semaphore_mem>>, %arg48: memref<!tpu.dma_semaphore, #tpu.memory_space<semaphore_mem>>, %arg49: memref<!tpu.dma_semaphore, #tpu.memory_space<semaphore_mem>>, %arg50: memref<!tpu.dma_semaphore, #tpu.memory_space<semaphore_mem>>, %arg51: memref<!tpu.dma_semaphore, #tpu.memory_space<semaphore_mem>>, %arg52: memref<!tpu.dma_semaphore, #tpu.memory_space<semaphore_mem>>, %arg53: memref<!tpu.dma_semaphore, #tpu.memory_space<semaphore_mem>>, %arg54: memref<!tpu.dma_semaphore, #tpu.memory_space<semaphore_mem>>, %arg55: memref<!tpu.dma_semaphore, #tpu.memory_space<semaphore_mem>>, %arg56: memref<!tpu.dma_semaphore, #tpu.memory_space<semaphore_mem>>) attributes {dimension_semantics = [#tpu.dimension_semantics<core_parallel>, #tpu.dimension_semantics<subcore_parallel>], iteration_bounds = array<i64: 2, 16>, scalar_prefetch = 0 : i64, scratch_operands = 51 : i64, tpu.core_type = #tpu.core_type<sc_vector_subcore>, window_params = [{transform_indices = #map}, {transform_indices = #map}, {transform_indices = #map}, {transform_indices = #map1}]} {
    %mul3A = arith.constant 2 : i32
    %mul3A_0 = arith.muli %arg1, %mul3A : i32
    %add3A = arith.addi %mul3A_0, %arg0 : i32
    %mul3A_1 = arith.constant 632 : i32
    %mul3A_2 = arith.muli %arg1, %mul3A_1 : i32
    %mul3A_3 = arith.constant 632 : i32
    %mul3A_4 = arith.muli %arg1, %mul3A_3 : i32
    "tpu.region"() ({
      %run_scoped3A = tpu.sem_alloc : memref<!tpu.dma_semaphore, #tpu.memory_space<semaphore_mem>>
      %dma_start3A_335 = arith.constant 0 : i32
      %dma_start3A_336 = tpu.memref_slice %arg26[%mul3A_4, %dma_start3A_335] : memref<10112x128xbf16, #tpu.memory_space<vmem_shared>> -> memref<632x128xbf16, #tpu.memory_space<vmem_shared>>
      %dma_start3A_337 = arith.constant 0 : i32
      %dma_start3A_338 = tpu.memref_slice %arg4[%mul3A_2, %dma_start3A_337] : memref<10240x128xbf16, #tpu.memory_space<hbm>> -> memref<632x128xbf16, #tpu.memory_space<hbm>>
      tpu.enqueue_dma source(%dma_start3A_338 : memref<632x128xbf16, #tpu.memory_space<hbm>>) target(%dma_start3A_336 : memref<632x128xbf16, #tpu.memory_space<vmem_shared>>) target_semaphore(%run_scoped3A : memref<!tpu.dma_semaphore, #tpu.memory_space<semaphore_mem>>)
      %dma_wait3A_339 = arith.constant 0 : i32
      %dma_wait3A_340 = tpu.memref_slice %arg26[%mul3A_4, %dma_wait3A_339] : memref<10112x128xbf16, #tpu.memory_space<vmem_shared>> -> memref<632x128xbf16, #tpu.memory_space<vmem_shared>>
      %dma_wait3A_341 = arith.constant 0 : i32
      %dma_wait3A_342 = tpu.memref_slice %arg4[%mul3A_2, %dma_wait3A_341] : memref<10240x128xbf16, #tpu.memory_space<hbm>> -> memref<632x128xbf16, #tpu.memory_space<hbm>>
      tpu.wait_dma2 semaphore(%run_scoped3A : memref<!tpu.dma_semaphore, #tpu.memory_space<semaphore_mem>>) src(%dma_wait3A_342 : memref<632x128xbf16, #tpu.memory_space<hbm>>) dst(%dma_wait3A_340 : memref<632x128xbf16, #tpu.memory_space<vmem_shared>>)
      tpu.yield
    }) : () -> ()
    %barrier3A = arith.constant 0 : index
    tpu.barrier barrier_id(%barrier3A)
    %scan3A = arith.constant 0 : i32
    %scan3A_5 = arith.constant 0 : i32
    %scan3A_6 = arith.constant 7 : i32
    %scan3A_7 = arith.addi %scan3A_5, %scan3A_6 : i32
    %scan3A_8 = arith.constant 1 : i32
    scf.for %scan3A_335 = %scan3A_5 to %scan3A_7 step %scan3A_8  : i32 {
      %mul3A_336 = arith.constant 10 : i32
      %mul3A_337 = arith.muli %scan3A_335, %mul3A_336 : i32
      %add3A_338 = arith.constant 0 : i32
      %add3A_339 = arith.addi %mul3A_337, %add3A_338 : i32
      %mul3A_340 = arith.constant 32 : i32
      %mul3A_341 = arith.muli %add3A_339, %mul3A_340 : i32
      %add3A_342 = arith.addi %mul3A_341, %add3A : i32
      %mul3A_343 = arith.constant 128 : i32
      %mul3A_344 = arith.muli %add3A_342, %mul3A_343 : i32
      %dma_start3A_345 = arith.constant 0 : i32
      %dma_start3A_346 = tpu.memref_slice %arg2[%dma_start3A_345, %mul3A_344] : memref<2x320000xi32, #tpu.memory_space<hbm>> -> memref<2x128xi32, #tpu.memory_space<hbm>>
      %dma_start3A_347 = arith.constant 0 : i32
      %dma_start3A_348 = tpu.memref_slice %arg2[%dma_start3A_347, %mul3A_344] : memref<2x320000xi32, #tpu.memory_space<hbm>> -> memref<2x128xi32, #tpu.memory_space<hbm>>
      tpu.enqueue_dma source(%dma_start3A_348 : memref<2x128xi32, #tpu.memory_space<hbm>>) target(%arg6 : memref<2x128xi32, #tpu.memory_space<vmem>>) target_semaphore(%arg27 : memref<!tpu.dma_semaphore, #tpu.memory_space<semaphore_mem>>)
      %add3A_349 = arith.constant 1 : i32
      %add3A_350 = arith.addi %mul3A_337, %add3A_349 : i32
      %mul3A_351 = arith.constant 32 : i32
      %mul3A_352 = arith.muli %add3A_350, %mul3A_351 : i32
      %add3A_353 = arith.addi %mul3A_352, %add3A : i32
      %mul3A_354 = arith.constant 128 : i32
      %mul3A_355 = arith.muli %add3A_353, %mul3A_354 : i32
      %dma_start3A_356 = arith.constant 0 : i32
      %dma_start3A_357 = tpu.memref_slice %arg2[%dma_start3A_356, %mul3A_355] : memref<2x320000xi32, #tpu.memory_space<hbm>> -> memref<2x128xi32, #tpu.memory_space<hbm>>
      %dma_start3A_358 = arith.constant 0 : i32
      %dma_start3A_359 = tpu.memref_slice %arg2[%dma_start3A_358, %mul3A_355] : memref<2x320000xi32, #tpu.memory_space<hbm>> -> memref<2x128xi32, #tpu.memory_space<hbm>>
      tpu.enqueue_dma source(%dma_start3A_359 : memref<2x128xi32, #tpu.memory_space<hbm>>) target(%arg7 : memref<2x128xi32, #tpu.memory_space<vmem>>) target_semaphore(%arg28 : memref<!tpu.dma_semaphore, #tpu.memory_space<semaphore_mem>>)
      %add3A_360 = arith.constant 2 : i32
      %add3A_361 = arith.addi %mul3A_337, %add3A_360 : i32
      %mul3A_362 = arith.constant 32 : i32
      %mul3A_363 = arith.muli %add3A_361, %mul3A_362 : i32
      %add3A_364 = arith.addi %mul3A_363, %add3A : i32
      %mul3A_365 = arith.constant 128 : i32
      %mul3A_366 = arith.muli %add3A_364, %mul3A_365 : i32
      %dma_start3A_367 = arith.constant 0 : i32
      %dma_start3A_368 = tpu.memref_slice %arg2[%dma_start3A_367, %mul3A_366] : memref<2x320000xi32, #tpu.memory_space<hbm>> -> memref<2x128xi32, #tpu.memory_space<hbm>>
      %dma_start3A_369 = arith.constant 0 : i32
      %dma_start3A_370 = tpu.memref_slice %arg2[%dma_start3A_369, %mul3A_366] : memref<2x320000xi32, #tpu.memory_space<hbm>> -> memref<2x128xi32, #tpu.memory_space<hbm>>
      tpu.enqueue_dma source(%dma_start3A_370 : memref<2x128xi32, #tpu.memory_space<hbm>>) target(%arg8 : memref<2x128xi32, #tpu.memory_space<vmem>>) target_semaphore(%arg29 : memref<!tpu.dma_semaphore, #tpu.memory_space<semaphore_mem>>)
      %add3A_371 = arith.constant 3 : i32
      %add3A_372 = arith.addi %mul3A_337, %add3A_371 : i32
      %mul3A_373 = arith.constant 32 : i32
      %mul3A_374 = arith.muli %add3A_372, %mul3A_373 : i32
      %add3A_375 = arith.addi %mul3A_374, %add3A : i32
      %mul3A_376 = arith.constant 128 : i32
      %mul3A_377 = arith.muli %add3A_375, %mul3A_376 : i32
      %dma_start3A_378 = arith.constant 0 : i32
      %dma_start3A_379 = tpu.memref_slice %arg2[%dma_start3A_378, %mul3A_377] : memref<2x320000xi32, #tpu.memory_space<hbm>> -> memref<2x128xi32, #tpu.memory_space<hbm>>
      %dma_start3A_380 = arith.constant 0 : i32
      %dma_start3A_381 = tpu.memref_slice %arg2[%dma_start3A_380, %mul3A_377] : memref<2x320000xi32, #tpu.memory_space<hbm>> -> memref<2x128xi32, #tpu.memory_space<hbm>>
      tpu.enqueue_dma source(%dma_start3A_381 : memref<2x128xi32, #tpu.memory_space<hbm>>) target(%arg9 : memref<2x128xi32, #tpu.memory_space<vmem>>) target_semaphore(%arg30 : memref<!tpu.dma_semaphore, #tpu.memory_space<semaphore_mem>>)
      %add3A_382 = arith.constant 4 : i32
      %add3A_383 = arith.addi %mul3A_337, %add3A_382 : i32
      %mul3A_384 = arith.constant 32 : i32
      %mul3A_385 = arith.muli %add3A_383, %mul3A_384 : i32
      %add3A_386 = arith.addi %mul3A_385, %add3A : i32
      %mul3A_387 = arith.constant 128 : i32
      %mul3A_388 = arith.muli %add3A_386, %mul3A_387 : i32
      %dma_start3A_389 = arith.constant 0 : i32
      %dma_start3A_390 = tpu.memref_slice %arg2[%dma_start3A_389, %mul3A_388] : memref<2x320000xi32, #tpu.memory_space<hbm>> -> memref<2x128xi32, #tpu.memory_space<hbm>>
      %dma_start3A_391 = arith.constant 0 : i32
      %dma_start3A_392 = tpu.memref_slice %arg2[%dma_start3A_391, %mul3A_388] : memref<2x320000xi32, #tpu.memory_space<hbm>> -> memref<2x128xi32, #tpu.memory_space<hbm>>
      tpu.enqueue_dma source(%dma_start3A_392 : memref<2x128xi32, #tpu.memory_space<hbm>>) target(%arg10 : memref<2x128xi32, #tpu.memory_space<vmem>>) target_semaphore(%arg31 : memref<!tpu.dma_semaphore, #tpu.memory_space<semaphore_mem>>)
      %add3A_393 = arith.constant 5 : i32
      %add3A_394 = arith.addi %mul3A_337, %add3A_393 : i32
      %mul3A_395 = arith.constant 32 : i32
      %mul3A_396 = arith.muli %add3A_394, %mul3A_395 : i32
      %add3A_397 = arith.addi %mul3A_396, %add3A : i32
      %mul3A_398 = arith.constant 128 : i32
      %mul3A_399 = arith.muli %add3A_397, %mul3A_398 : i32
      %dma_start3A_400 = arith.constant 0 : i32
      %dma_start3A_401 = tpu.memref_slice %arg2[%dma_start3A_400, %mul3A_399] : memref<2x320000xi32, #tpu.memory_space<hbm>> -> memref<2x128xi32, #tpu.memory_space<hbm>>
      %dma_start3A_402 = arith.constant 0 : i32
      %dma_start3A_403 = tpu.memref_slice %arg2[%dma_start3A_402, %mul3A_399] : memref<2x320000xi32, #tpu.memory_space<hbm>> -> memref<2x128xi32, #tpu.memory_space<hbm>>
      tpu.enqueue_dma source(%dma_start3A_403 : memref<2x128xi32, #tpu.memory_space<hbm>>) target(%arg11 : memref<2x128xi32, #tpu.memory_space<vmem>>) target_semaphore(%arg32 : memref<!tpu.dma_semaphore, #tpu.memory_space<semaphore_mem>>)
      %add3A_404 = arith.constant 6 : i32
      %add3A_405 = arith.addi %mul3A_337, %add3A_404 : i32
      %mul3A_406 = arith.constant 32 : i32
      %mul3A_407 = arith.muli %add3A_405, %mul3A_406 : i32
      %add3A_408 = arith.addi %mul3A_407, %add3A : i32
      %mul3A_409 = arith.constant 128 : i32
      %mul3A_410 = arith.muli %add3A_408, %mul3A_409 : i32
      %dma_start3A_411 = arith.constant 0 : i32
      %dma_start3A_412 = tpu.memref_slice %arg2[%dma_start3A_411, %mul3A_410] : memref<2x320000xi32, #tpu.memory_space<hbm>> -> memref<2x128xi32, #tpu.memory_space<hbm>>
      %dma_start3A_413 = arith.constant 0 : i32
      %dma_start3A_414 = tpu.memref_slice %arg2[%dma_start3A_413, %mul3A_410] : memref<2x320000xi32, #tpu.memory_space<hbm>> -> memref<2x128xi32, #tpu.memory_space<hbm>>
      tpu.enqueue_dma source(%dma_start3A_414 : memref<2x128xi32, #tpu.memory_space<hbm>>) target(%arg12 : memref<2x128xi32, #tpu.memory_space<vmem>>) target_semaphore(%arg33 : memref<!tpu.dma_semaphore, #tpu.memory_space<semaphore_mem>>)
      %add3A_415 = arith.constant 7 : i32
      %add3A_416 = arith.addi %mul3A_337, %add3A_415 : i32
      %mul3A_417 = arith.constant 32 : i32
      %mul3A_418 = arith.muli %add3A_416, %mul3A_417 : i32
      %add3A_419 = arith.addi %mul3A_418, %add3A : i32
      %mul3A_420 = arith.constant 128 : i32
      %mul3A_421 = arith.muli %add3A_419, %mul3A_420 : i32
      %dma_start3A_422 = arith.constant 0 : i32
      %dma_start3A_423 = tpu.memref_slice %arg2[%dma_start3A_422, %mul3A_421] : memref<2x320000xi32, #tpu.memory_space<hbm>> -> memref<2x128xi32, #tpu.memory_space<hbm>>
      %dma_start3A_424 = arith.constant 0 : i32
      %dma_start3A_425 = tpu.memref_slice %arg2[%dma_start3A_424, %mul3A_421] : memref<2x320000xi32, #tpu.memory_space<hbm>> -> memref<2x128xi32, #tpu.memory_space<hbm>>
      tpu.enqueue_dma source(%dma_start3A_425 : memref<2x128xi32, #tpu.memory_space<hbm>>) target(%arg13 : memref<2x128xi32, #tpu.memory_space<vmem>>) target_semaphore(%arg34 : memref<!tpu.dma_semaphore, #tpu.memory_space<semaphore_mem>>)
      %add3A_426 = arith.constant 8 : i32
      %add3A_427 = arith.addi %mul3A_337, %add3A_426 : i32
      %mul3A_428 = arith.constant 32 : i32
      %mul3A_429 = arith.muli %add3A_427, %mul3A_428 : i32
      %add3A_430 = arith.addi %mul3A_429, %add3A : i32
      %mul3A_431 = arith.constant 128 : i32
      %mul3A_432 = arith.muli %add3A_430, %mul3A_431 : i32
      %dma_start3A_433 = arith.constant 0 : i32
      %dma_start3A_434 = tpu.memref_slice %arg2[%dma_start3A_433, %mul3A_432] : memref<2x320000xi32, #tpu.memory_space<hbm>> -> memref<2x128xi32, #tpu.memory_space<hbm>>
      %dma_start3A_435 = arith.constant 0 : i32
      %dma_start3A_436 = tpu.memref_slice %arg2[%dma_start3A_435, %mul3A_432] : memref<2x320000xi32, #tpu.memory_space<hbm>> -> memref<2x128xi32, #tpu.memory_space<hbm>>
      tpu.enqueue_dma source(%dma_start3A_436 : memref<2x128xi32, #tpu.memory_space<hbm>>) target(%arg14 : memref<2x128xi32, #tpu.memory_space<vmem>>) target_semaphore(%arg35 : memref<!tpu.dma_semaphore, #tpu.memory_space<semaphore_mem>>)
      %add3A_437 = arith.constant 9 : i32
      %add3A_438 = arith.addi %mul3A_337, %add3A_437 : i32
      %mul3A_439 = arith.constant 32 : i32
      %mul3A_440 = arith.muli %add3A_438, %mul3A_439 : i32
      %add3A_441 = arith.addi %mul3A_440, %add3A : i32
      %mul3A_442 = arith.constant 128 : i32
      %mul3A_443 = arith.muli %add3A_441, %mul3A_442 : i32
      %dma_start3A_444 = arith.constant 0 : i32
      %dma_start3A_445 = tpu.memref_slice %arg2[%dma_start3A_444, %mul3A_443] : memref<2x320000xi32, #tpu.memory_space<hbm>> -> memref<2x128xi32, #tpu.memory_space<hbm>>
      %dma_start3A_446 = arith.constant 0 : i32
      %dma_start3A_447 = tpu.memref_slice %arg2[%dma_start3A_446, %mul3A_443] : memref<2x320000xi32, #tpu.memory_space<hbm>> -> memref<2x128xi32, #tpu.memory_space<hbm>>
      tpu.enqueue_dma source(%dma_start3A_447 : memref<2x128xi32, #tpu.memory_space<hbm>>) target(%arg15 : memref<2x128xi32, #tpu.memory_space<vmem>>) target_semaphore(%arg36 : memref<!tpu.dma_semaphore, #tpu.memory_space<semaphore_mem>>)
      %dma_wait3A_448 = arith.constant 0 : i32
      %dma_wait3A_449 = tpu.memref_slice %arg2[%dma_wait3A_448, %mul3A_344] : memref<2x320000xi32, #tpu.memory_space<hbm>> -> memref<2x128xi32, #tpu.memory_space<hbm>>
      %dma_wait3A_450 = arith.constant 0 : i32
      %dma_wait3A_451 = tpu.memref_slice %arg2[%dma_wait3A_450, %mul3A_344] : memref<2x320000xi32, #tpu.memory_space<hbm>> -> memref<2x128xi32, #tpu.memory_space<hbm>>
      tpu.wait_dma2 semaphore(%arg27 : memref<!tpu.dma_semaphore, #tpu.memory_space<semaphore_mem>>) src(%dma_wait3A_451 : memref<2x128xi32, #tpu.memory_space<hbm>>) dst(%arg6 : memref<2x128xi32, #tpu.memory_space<vmem>>)
      %dma_start3A_452 = arith.constant 0 : i32
      %dma_start3A_453 = arith.constant 0 : i32
      %dma_start3A_454 = tpu.memref_slice %arg6[%dma_start3A_452, %dma_start3A_453] : memref<2x128xi32, #tpu.memory_space<vmem>> -> memref<1x128xi32, #tpu.memory_space<vmem>>
      %dma_start3A_455 = tpu.memref_squeeze %dma_start3A_454 : memref<1x128xi32, #tpu.memory_space<vmem>> -> memref<128xi32, #tpu.memory_space<vmem>>
      %dma_start3A_456 = arith.constant 0 : i32
      %dma_start3A_457 = arith.constant 0 : i32
      %dma_start3A_458 = tpu.memref_slice %arg3[%dma_start3A_456, %dma_start3A_457] : memref<10000x128xbf16, #tpu.memory_space<hbm>> -> memref<10000x128xbf16, #tpu.memory_space<hbm>>
      tpu.enqueue_indirect_dma source(%dma_start3A_458 : memref<10000x128xbf16, #tpu.memory_space<hbm>>) target(%arg16 : memref<128x128xbf16, #tpu.memory_space<vmem>>) offsets(%dma_start3A_455 : memref<128xi32, #tpu.memory_space<vmem>>) semaphore(%arg37 : memref<!tpu.dma_semaphore, #tpu.memory_space<semaphore_mem>>)
      %dma_wait3A_459 = arith.constant 0 : i32
      %dma_wait3A_460 = tpu.memref_slice %arg2[%dma_wait3A_459, %mul3A_355] : memref<2x320000xi32, #tpu.memory_space<hbm>> -> memref<2x128xi32, #tpu.memory_space<hbm>>
      %dma_wait3A_461 = arith.constant 0 : i32
      %dma_wait3A_462 = tpu.memref_slice %arg2[%dma_wait3A_461, %mul3A_355] : memref<2x320000xi32, #tpu.memory_space<hbm>> -> memref<2x128xi32, #tpu.memory_space<hbm>>
      tpu.wait_dma2 semaphore(%arg28 : memref<!tpu.dma_semaphore, #tpu.memory_space<semaphore_mem>>) src(%dma_wait3A_462 : memref<2x128xi32, #tpu.memory_space<hbm>>) dst(%arg7 : memref<2x128xi32, #tpu.memory_space<vmem>>)
      %dma_start3A_463 = arith.constant 0 : i32
      %dma_start3A_464 = arith.constant 0 : i32
      %dma_start3A_465 = tpu.memref_slice %arg7[%dma_start3A_463, %dma_start3A_464] : memref<2x128xi32, #tpu.memory_space<vmem>> -> memref<1x128xi32, #tpu.memory_space<vmem>>
      %dma_start3A_466 = tpu.memref_squeeze %dma_start3A_465 : memref<1x128xi32, #tpu.memory_space<vmem>> -> memref<128xi32, #tpu.memory_space<vmem>>
      %dma_start3A_467 = arith.constant 0 : i32
      %dma_start3A_468 = arith.constant 0 : i32
      %dma_start3A_469 = tpu.memref_slice %arg3[%dma_start3A_467, %dma_start3A_468] : memref<10000x128xbf16, #tpu.memory_space<hbm>> -> memref<10000x128xbf16, #tpu.memory_space<hbm>>
      tpu.enqueue_indirect_dma source(%dma_start3A_469 : memref<10000x128xbf16, #tpu.memory_space<hbm>>) target(%arg17 : memref<128x128xbf16, #tpu.memory_space<vmem>>) offsets(%dma_start3A_466 : memref<128xi32, #tpu.memory_space<vmem>>) semaphore(%arg38 : memref<!tpu.dma_semaphore, #tpu.memory_space<semaphore_mem>>)
      %dma_wait3A_470 = arith.constant 0 : i32
      %dma_wait3A_471 = tpu.memref_slice %arg2[%dma_wait3A_470, %mul3A_366] : memref<2x320000xi32, #tpu.memory_space<hbm>> -> memref<2x128xi32, #tpu.memory_space<hbm>>
      %dma_wait3A_472 = arith.constant 0 : i32
      %dma_wait3A_473 = tpu.memref_slice %arg2[%dma_wait3A_472, %mul3A_366] : memref<2x320000xi32, #tpu.memory_space<hbm>> -> memref<2x128xi32, #tpu.memory_space<hbm>>
      tpu.wait_dma2 semaphore(%arg29 : memref<!tpu.dma_semaphore, #tpu.memory_space<semaphore_mem>>) src(%dma_wait3A_473 : memref<2x128xi32, #tpu.memory_space<hbm>>) dst(%arg8 : memref<2x128xi32, #tpu.memory_space<vmem>>)
      %dma_start3A_474 = arith.constant 0 : i32
      %dma_start3A_475 = arith.constant 0 : i32
      %dma_start3A_476 = tpu.memref_slice %arg8[%dma_start3A_474, %dma_start3A_475] : memref<2x128xi32, #tpu.memory_space<vmem>> -> memref<1x128xi32, #tpu.memory_space<vmem>>
      %dma_start3A_477 = tpu.memref_squeeze %dma_start3A_476 : memref<1x128xi32, #tpu.memory_space<vmem>> -> memref<128xi32, #tpu.memory_space<vmem>>
      %dma_start3A_478 = arith.constant 0 : i32
      %dma_start3A_479 = arith.constant 0 : i32
      %dma_start3A_480 = tpu.memref_slice %arg3[%dma_start3A_478, %dma_start3A_479] : memref<10000x128xbf16, #tpu.memory_space<hbm>> -> memref<10000x128xbf16, #tpu.memory_space<hbm>>
      tpu.enqueue_indirect_dma source(%dma_start3A_480 : memref<10000x128xbf16, #tpu.memory_space<hbm>>) target(%arg18 : memref<128x128xbf16, #tpu.memory_space<vmem>>) offsets(%dma_start3A_477 : memref<128xi32, #tpu.memory_space<vmem>>) semaphore(%arg39 : memref<!tpu.dma_semaphore, #tpu.memory_space<semaphore_mem>>)
      %dma_wait3A_481 = arith.constant 0 : i32
      %dma_wait3A_482 = tpu.memref_slice %arg2[%dma_wait3A_481, %mul3A_377] : memref<2x320000xi32, #tpu.memory_space<hbm>> -> memref<2x128xi32, #tpu.memory_space<hbm>>
      %dma_wait3A_483 = arith.constant 0 : i32
      %dma_wait3A_484 = tpu.memref_slice %arg2[%dma_wait3A_483, %mul3A_377] : memref<2x320000xi32, #tpu.memory_space<hbm>> -> memref<2x128xi32, #tpu.memory_space<hbm>>
      tpu.wait_dma2 semaphore(%arg30 : memref<!tpu.dma_semaphore, #tpu.memory_space<semaphore_mem>>) src(%dma_wait3A_484 : memref<2x128xi32, #tpu.memory_space<hbm>>) dst(%arg9 : memref<2x128xi32, #tpu.memory_space<vmem>>)
      %dma_start3A_485 = arith.constant 0 : i32
      %dma_start3A_486 = arith.constant 0 : i32
      %dma_start3A_487 = tpu.memref_slice %arg9[%dma_start3A_485, %dma_start3A_486] : memref<2x128xi32, #tpu.memory_space<vmem>> -> memref<1x128xi32, #tpu.memory_space<vmem>>
      %dma_start3A_488 = tpu.memref_squeeze %dma_start3A_487 : memref<1x128xi32, #tpu.memory_space<vmem>> -> memref<128xi32, #tpu.memory_space<vmem>>
      %dma_start3A_489 = arith.constant 0 : i32
      %dma_start3A_490 = arith.constant 0 : i32
      %dma_start3A_491 = tpu.memref_slice %arg3[%dma_start3A_489, %dma_start3A_490] : memref<10000x128xbf16, #tpu.memory_space<hbm>> -> memref<10000x128xbf16, #tpu.memory_space<hbm>>
      tpu.enqueue_indirect_dma source(%dma_start3A_491 : memref<10000x128xbf16, #tpu.memory_space<hbm>>) target(%arg19 : memref<128x128xbf16, #tpu.memory_space<vmem>>) offsets(%dma_start3A_488 : memref<128xi32, #tpu.memory_space<vmem>>) semaphore(%arg40 : memref<!tpu.dma_semaphore, #tpu.memory_space<semaphore_mem>>)
      %dma_wait3A_492 = arith.constant 0 : i32
      %dma_wait3A_493 = tpu.memref_slice %arg2[%dma_wait3A_492, %mul3A_388] : memref<2x320000xi32, #tpu.memory_space<hbm>> -> memref<2x128xi32, #tpu.memory_space<hbm>>
      %dma_wait3A_494 = arith.constant 0 : i32
      %dma_wait3A_495 = tpu.memref_slice %arg2[%dma_wait3A_494, %mul3A_388] : memref<2x320000xi32, #tpu.memory_space<hbm>> -> memref<2x128xi32, #tpu.memory_space<hbm>>
      tpu.wait_dma2 semaphore(%arg31 : memref<!tpu.dma_semaphore, #tpu.memory_space<semaphore_mem>>) src(%dma_wait3A_495 : memref<2x128xi32, #tpu.memory_space<hbm>>) dst(%arg10 : memref<2x128xi32, #tpu.memory_space<vmem>>)
      %dma_start3A_496 = arith.constant 0 : i32
      %dma_start3A_497 = arith.constant 0 : i32
      %dma_start3A_498 = tpu.memref_slice %arg10[%dma_start3A_496, %dma_start3A_497] : memref<2x128xi32, #tpu.memory_space<vmem>> -> memref<1x128xi32, #tpu.memory_space<vmem>>
      %dma_start3A_499 = tpu.memref_squeeze %dma_start3A_498 : memref<1x128xi32, #tpu.memory_space<vmem>> -> memref<128xi32, #tpu.memory_space<vmem>>
      %dma_start3A_500 = arith.constant 0 : i32
      %dma_start3A_501 = arith.constant 0 : i32
      %dma_start3A_502 = tpu.memref_slice %arg3[%dma_start3A_500, %dma_start3A_501] : memref<10000x128xbf16, #tpu.memory_space<hbm>> -> memref<10000x128xbf16, #tpu.memory_space<hbm>>
      tpu.enqueue_indirect_dma source(%dma_start3A_502 : memref<10000x128xbf16, #tpu.memory_space<hbm>>) target(%arg20 : memref<128x128xbf16, #tpu.memory_space<vmem>>) offsets(%dma_start3A_499 : memref<128xi32, #tpu.memory_space<vmem>>) semaphore(%arg41 : memref<!tpu.dma_semaphore, #tpu.memory_space<semaphore_mem>>)
      %dma_wait3A_503 = arith.constant 0 : i32
      %dma_wait3A_504 = tpu.memref_slice %arg2[%dma_wait3A_503, %mul3A_399] : memref<2x320000xi32, #tpu.memory_space<hbm>> -> memref<2x128xi32, #tpu.memory_space<hbm>>
      %dma_wait3A_505 = arith.constant 0 : i32
      %dma_wait3A_506 = tpu.memref_slice %arg2[%dma_wait3A_505, %mul3A_399] : memref<2x320000xi32, #tpu.memory_space<hbm>> -> memref<2x128xi32, #tpu.memory_space<hbm>>
      tpu.wait_dma2 semaphore(%arg32 : memref<!tpu.dma_semaphore, #tpu.memory_space<semaphore_mem>>) src(%dma_wait3A_506 : memref<2x128xi32, #tpu.memory_space<hbm>>) dst(%arg11 : memref<2x128xi32, #tpu.memory_space<vmem>>)
      %dma_start3A_507 = arith.constant 0 : i32
      %dma_start3A_508 = arith.constant 0 : i32
      %dma_start3A_509 = tpu.memref_slice %arg11[%dma_start3A_507, %dma_start3A_508] : memref<2x128xi32, #tpu.memory_space<vmem>> -> memref<1x128xi32, #tpu.memory_space<vmem>>
      %dma_start3A_510 = tpu.memref_squeeze %dma_start3A_509 : memref<1x128xi32, #tpu.memory_space<vmem>> -> memref<128xi32, #tpu.memory_space<vmem>>
      %dma_start3A_511 = arith.constant 0 : i32
      %dma_start3A_512 = arith.constant 0 : i32
      %dma_start3A_513 = tpu.memref_slice %arg3[%dma_start3A_511, %dma_start3A_512] : memref<10000x128xbf16, #tpu.memory_space<hbm>> -> memref<10000x128xbf16, #tpu.memory_space<hbm>>
      tpu.enqueue_indirect_dma source(%dma_start3A_513 : memref<10000x128xbf16, #tpu.memory_space<hbm>>) target(%arg21 : memref<128x128xbf16, #tpu.memory_space<vmem>>) offsets(%dma_start3A_510 : memref<128xi32, #tpu.memory_space<vmem>>) semaphore(%arg42 : memref<!tpu.dma_semaphore, #tpu.memory_space<semaphore_mem>>)
      %dma_wait3A_514 = arith.constant 0 : i32
      %dma_wait3A_515 = tpu.memref_slice %arg2[%dma_wait3A_514, %mul3A_410] : memref<2x320000xi32, #tpu.memory_space<hbm>> -> memref<2x128xi32, #tpu.memory_space<hbm>>
      %dma_wait3A_516 = arith.constant 0 : i32
      %dma_wait3A_517 = tpu.memref_slice %arg2[%dma_wait3A_516, %mul3A_410] : memref<2x320000xi32, #tpu.memory_space<hbm>> -> memref<2x128xi32, #tpu.memory_space<hbm>>
      tpu.wait_dma2 semaphore(%arg33 : memref<!tpu.dma_semaphore, #tpu.memory_space<semaphore_mem>>) src(%dma_wait3A_517 : memref<2x128xi32, #tpu.memory_space<hbm>>) dst(%arg12 : memref<2x128xi32, #tpu.memory_space<vmem>>)
      %dma_start3A_518 = arith.constant 0 : i32
      %dma_start3A_519 = arith.constant 0 : i32
      %dma_start3A_520 = tpu.memref_slice %arg12[%dma_start3A_518, %dma_start3A_519] : memref<2x128xi32, #tpu.memory_space<vmem>> -> memref<1x128xi32, #tpu.memory_space<vmem>>
      %dma_start3A_521 = tpu.memref_squeeze %dma_start3A_520 : memref<1x128xi32, #tpu.memory_space<vmem>> -> memref<128xi32, #tpu.memory_space<vmem>>
      %dma_start3A_522 = arith.constant 0 : i32
      %dma_start3A_523 = arith.constant 0 : i32
      %dma_start3A_524 = tpu.memref_slice %arg3[%dma_start3A_522, %dma_start3A_523] : memref<10000x128xbf16, #tpu.memory_space<hbm>> -> memref<10000x128xbf16, #tpu.memory_space<hbm>>
      tpu.enqueue_indirect_dma source(%dma_start3A_524 : memref<10000x128xbf16, #tpu.memory_space<hbm>>) target(%arg22 : memref<128x128xbf16, #tpu.memory_space<vmem>>) offsets(%dma_start3A_521 : memref<128xi32, #tpu.memory_space<vmem>>) semaphore(%arg43 : memref<!tpu.dma_semaphore, #tpu.memory_space<semaphore_mem>>)
      %dma_wait3A_525 = arith.constant 0 : i32
      %dma_wait3A_526 = tpu.memref_slice %arg2[%dma_wait3A_525, %mul3A_421] : memref<2x320000xi32, #tpu.memory_space<hbm>> -> memref<2x128xi32, #tpu.memory_space<hbm>>
      %dma_wait3A_527 = arith.constant 0 : i32
      %dma_wait3A_528 = tpu.memref_slice %arg2[%dma_wait3A_527, %mul3A_421] : memref<2x320000xi32, #tpu.memory_space<hbm>> -> memref<2x128xi32, #tpu.memory_space<hbm>>
      tpu.wait_dma2 semaphore(%arg34 : memref<!tpu.dma_semaphore, #tpu.memory_space<semaphore_mem>>) src(%dma_wait3A_528 : memref<2x128xi32, #tpu.memory_space<hbm>>) dst(%arg13 : memref<2x128xi32, #tpu.memory_space<vmem>>)
      %dma_start3A_529 = arith.constant 0 : i32
      %dma_start3A_530 = arith.constant 0 : i32
      %dma_start3A_531 = tpu.memref_slice %arg13[%dma_start3A_529, %dma_start3A_530] : memref<2x128xi32, #tpu.memory_space<vmem>> -> memref<1x128xi32, #tpu.memory_space<vmem>>
      %dma_start3A_532 = tpu.memref_squeeze %dma_start3A_531 : memref<1x128xi32, #tpu.memory_space<vmem>> -> memref<128xi32, #tpu.memory_space<vmem>>
      %dma_start3A_533 = arith.constant 0 : i32
      %dma_start3A_534 = arith.constant 0 : i32
      %dma_start3A_535 = tpu.memref_slice %arg3[%dma_start3A_533, %dma_start3A_534] : memref<10000x128xbf16, #tpu.memory_space<hbm>> -> memref<10000x128xbf16, #tpu.memory_space<hbm>>
      tpu.enqueue_indirect_dma source(%dma_start3A_535 : memref<10000x128xbf16, #tpu.memory_space<hbm>>) target(%arg23 : memref<128x128xbf16, #tpu.memory_space<vmem>>) offsets(%dma_start3A_532 : memref<128xi32, #tpu.memory_space<vmem>>) semaphore(%arg44 : memref<!tpu.dma_semaphore, #tpu.memory_space<semaphore_mem>>)
      %dma_wait3A_536 = arith.constant 0 : i32
      %dma_wait3A_537 = tpu.memref_slice %arg2[%dma_wait3A_536, %mul3A_432] : memref<2x320000xi32, #tpu.memory_space<hbm>> -> memref<2x128xi32, #tpu.memory_space<hbm>>
      %dma_wait3A_538 = arith.constant 0 : i32
      %dma_wait3A_539 = tpu.memref_slice %arg2[%dma_wait3A_538, %mul3A_432] : memref<2x320000xi32, #tpu.memory_space<hbm>> -> memref<2x128xi32, #tpu.memory_space<hbm>>
      tpu.wait_dma2 semaphore(%arg35 : memref<!tpu.dma_semaphore, #tpu.memory_space<semaphore_mem>>) src(%dma_wait3A_539 : memref<2x128xi32, #tpu.memory_space<hbm>>) dst(%arg14 : memref<2x128xi32, #tpu.memory_space<vmem>>)
      %dma_start3A_540 = arith.constant 0 : i32
      %dma_start3A_541 = arith.constant 0 : i32
      %dma_start3A_542 = tpu.memref_slice %arg14[%dma_start3A_540, %dma_start3A_541] : memref<2x128xi32, #tpu.memory_space<vmem>> -> memref<1x128xi32, #tpu.memory_space<vmem>>
      %dma_start3A_543 = tpu.memref_squeeze %dma_start3A_542 : memref<1x128xi32, #tpu.memory_space<vmem>> -> memref<128xi32, #tpu.memory_space<vmem>>
      %dma_start3A_544 = arith.constant 0 : i32
      %dma_start3A_545 = arith.constant 0 : i32
      %dma_start3A_546 = tpu.memref_slice %arg3[%dma_start3A_544, %dma_start3A_545] : memref<10000x128xbf16, #tpu.memory_space<hbm>> -> memref<10000x128xbf16, #tpu.memory_space<hbm>>
      tpu.enqueue_indirect_dma source(%dma_start3A_546 : memref<10000x128xbf16, #tpu.memory_space<hbm>>) target(%arg24 : memref<128x128xbf16, #tpu.memory_space<vmem>>) offsets(%dma_start3A_543 : memref<128xi32, #tpu.memory_space<vmem>>) semaphore(%arg45 : memref<!tpu.dma_semaphore, #tpu.memory_space<semaphore_mem>>)
      %dma_wait3A_547 = arith.constant 0 : i32
      %dma_wait3A_548 = tpu.memref_slice %arg2[%dma_wait3A_547, %mul3A_443] : memref<2x320000xi32, #tpu.memory_space<hbm>> -> memref<2x128xi32, #tpu.memory_space<hbm>>
      %dma_wait3A_549 = arith.constant 0 : i32
      %dma_wait3A_550 = tpu.memref_slice %arg2[%dma_wait3A_549, %mul3A_443] : memref<2x320000xi32, #tpu.memory_space<hbm>> -> memref<2x128xi32, #tpu.memory_space<hbm>>
      tpu.wait_dma2 semaphore(%arg36 : memref<!tpu.dma_semaphore, #tpu.memory_space<semaphore_mem>>) src(%dma_wait3A_550 : memref<2x128xi32, #tpu.memory_space<hbm>>) dst(%arg15 : memref<2x128xi32, #tpu.memory_space<vmem>>)
      %dma_start3A_551 = arith.constant 0 : i32
      %dma_start3A_552 = arith.constant 0 : i32
      %dma_start3A_553 = tpu.memref_slice %arg15[%dma_start3A_551, %dma_start3A_552] : memref<2x128xi32, #tpu.memory_space<vmem>> -> memref<1x128xi32, #tpu.memory_space<vmem>>
      %dma_start3A_554 = tpu.memref_squeeze %dma_start3A_553 : memref<1x128xi32, #tpu.memory_space<vmem>> -> memref<128xi32, #tpu.memory_space<vmem>>
      %dma_start3A_555 = arith.constant 0 : i32
      %dma_start3A_556 = arith.constant 0 : i32
      %dma_start3A_557 = tpu.memref_slice %arg3[%dma_start3A_555, %dma_start3A_556] : memref<10000x128xbf16, #tpu.memory_space<hbm>> -> memref<10000x128xbf16, #tpu.memory_space<hbm>>
      tpu.enqueue_indirect_dma source(%dma_start3A_557 : memref<10000x128xbf16, #tpu.memory_space<hbm>>) target(%arg25 : memref<128x128xbf16, #tpu.memory_space<vmem>>) offsets(%dma_start3A_554 : memref<128xi32, #tpu.memory_space<vmem>>) semaphore(%arg46 : memref<!tpu.dma_semaphore, #tpu.memory_space<semaphore_mem>>)
      %dma_wait3A_558 = arith.constant 0 : i32
      %dma_wait3A_559 = arith.constant 0 : i32
      %dma_wait3A_560 = tpu.memref_slice %arg6[%dma_wait3A_558, %dma_wait3A_559] : memref<2x128xi32, #tpu.memory_space<vmem>> -> memref<1x128xi32, #tpu.memory_space<vmem>>
      %dma_wait3A_561 = tpu.memref_squeeze %dma_wait3A_560 : memref<1x128xi32, #tpu.memory_space<vmem>> -> memref<128xi32, #tpu.memory_space<vmem>>
      %dma_wait3A_562 = arith.constant 0 : i32
      %dma_wait3A_563 = arith.constant 0 : i32
      %dma_wait3A_564 = tpu.memref_slice %arg3[%dma_wait3A_562, %dma_wait3A_563] : memref<10000x128xbf16, #tpu.memory_space<hbm>> -> memref<10000x128xbf16, #tpu.memory_space<hbm>>
      tpu.wait_indirect_dma semaphore(%arg37 : memref<!tpu.dma_semaphore, #tpu.memory_space<semaphore_mem>>) src(%dma_wait3A_564 : memref<10000x128xbf16, #tpu.memory_space<hbm>>) dst(%arg16 : memref<128x128xbf16, #tpu.memory_space<vmem>>)
      %dma_start3A_565 = arith.constant 1 : i32
      %dma_start3A_566 = arith.constant 0 : i32
      %dma_start3A_567 = tpu.memref_slice %arg6[%dma_start3A_565, %dma_start3A_566] : memref<2x128xi32, #tpu.memory_space<vmem>> -> memref<1x128xi32, #tpu.memory_space<vmem>>
      %dma_start3A_568 = tpu.memref_squeeze %dma_start3A_567 : memref<1x128xi32, #tpu.memory_space<vmem>> -> memref<128xi32, #tpu.memory_space<vmem>>
      %dma_start3A_569 = arith.constant 0 : i32
      %dma_start3A_570 = arith.constant 0 : i32
      %dma_start3A_571 = tpu.memref_slice %arg26[%dma_start3A_569, %dma_start3A_570] : memref<10112x128xbf16, #tpu.memory_space<vmem_shared>> -> memref<10112x128xbf16, #tpu.memory_space<vmem_shared>>
      tpu.enqueue_indirect_dma source(%arg16 : memref<128x128xbf16, #tpu.memory_space<vmem>>) target(%dma_start3A_571 : memref<10112x128xbf16, #tpu.memory_space<vmem_shared>>) offsets(%dma_start3A_568 : memref<128xi32, #tpu.memory_space<vmem>>) semaphore(%arg47 : memref<!tpu.dma_semaphore, #tpu.memory_space<semaphore_mem>>) {add = true}
      %dma_wait3A_572 = arith.constant 0 : i32
      %dma_wait3A_573 = arith.constant 0 : i32
      %dma_wait3A_574 = tpu.memref_slice %arg7[%dma_wait3A_572, %dma_wait3A_573] : memref<2x128xi32, #tpu.memory_space<vmem>> -> memref<1x128xi32, #tpu.memory_space<vmem>>
      %dma_wait3A_575 = tpu.memref_squeeze %dma_wait3A_574 : memref<1x128xi32, #tpu.memory_space<vmem>> -> memref<128xi32, #tpu.memory_space<vmem>>
      %dma_wait3A_576 = arith.constant 0 : i32
      %dma_wait3A_577 = arith.constant 0 : i32
      %dma_wait3A_578 = tpu.memref_slice %arg3[%dma_wait3A_576, %dma_wait3A_577] : memref<10000x128xbf16, #tpu.memory_space<hbm>> -> memref<10000x128xbf16, #tpu.memory_space<hbm>>
      tpu.wait_indirect_dma semaphore(%arg38 : memref<!tpu.dma_semaphore, #tpu.memory_space<semaphore_mem>>) src(%dma_wait3A_578 : memref<10000x128xbf16, #tpu.memory_space<hbm>>) dst(%arg17 : memref<128x128xbf16, #tpu.memory_space<vmem>>)
      %dma_start3A_579 = arith.constant 1 : i32
      %dma_start3A_580 = arith.constant 0 : i32
      %dma_start3A_581 = tpu.memref_slice %arg7[%dma_start3A_579, %dma_start3A_580] : memref<2x128xi32, #tpu.memory_space<vmem>> -> memref<1x128xi32, #tpu.memory_space<vmem>>
      %dma_start3A_582 = tpu.memref_squeeze %dma_start3A_581 : memref<1x128xi32, #tpu.memory_space<vmem>> -> memref<128xi32, #tpu.memory_space<vmem>>
      %dma_start3A_583 = arith.constant 0 : i32
      %dma_start3A_584 = arith.constant 0 : i32
      %dma_start3A_585 = tpu.memref_slice %arg26[%dma_start3A_583, %dma_start3A_584] : memref<10112x128xbf16, #tpu.memory_space<vmem_shared>> -> memref<10112x128xbf16, #tpu.memory_space<vmem_shared>>
      tpu.enqueue_indirect_dma source(%arg17 : memref<128x128xbf16, #tpu.memory_space<vmem>>) target(%dma_start3A_585 : memref<10112x128xbf16, #tpu.memory_space<vmem_shared>>) offsets(%dma_start3A_582 : memref<128xi32, #tpu.memory_space<vmem>>) semaphore(%arg48 : memref<!tpu.dma_semaphore, #tpu.memory_space<semaphore_mem>>) {add = true}
      %dma_wait3A_586 = arith.constant 0 : i32
      %dma_wait3A_587 = arith.constant 0 : i32
      %dma_wait3A_588 = tpu.memref_slice %arg8[%dma_wait3A_586, %dma_wait3A_587] : memref<2x128xi32, #tpu.memory_space<vmem>> -> memref<1x128xi32, #tpu.memory_space<vmem>>
      %dma_wait3A_589 = tpu.memref_squeeze %dma_wait3A_588 : memref<1x128xi32, #tpu.memory_space<vmem>> -> memref<128xi32, #tpu.memory_space<vmem>>
      %dma_wait3A_590 = arith.constant 0 : i32
      %dma_wait3A_591 = arith.constant 0 : i32
      %dma_wait3A_592 = tpu.memref_slice %arg3[%dma_wait3A_590, %dma_wait3A_591] : memref<10000x128xbf16, #tpu.memory_space<hbm>> -> memref<10000x128xbf16, #tpu.memory_space<hbm>>
      tpu.wait_indirect_dma semaphore(%arg39 : memref<!tpu.dma_semaphore, #tpu.memory_space<semaphore_mem>>) src(%dma_wait3A_592 : memref<10000x128xbf16, #tpu.memory_space<hbm>>) dst(%arg18 : memref<128x128xbf16, #tpu.memory_space<vmem>>)
      %dma_start3A_593 = arith.constant 1 : i32
      %dma_start3A_594 = arith.constant 0 : i32
      %dma_start3A_595 = tpu.memref_slice %arg8[%dma_start3A_593, %dma_start3A_594] : memref<2x128xi32, #tpu.memory_space<vmem>> -> memref<1x128xi32, #tpu.memory_space<vmem>>
      %dma_start3A_596 = tpu.memref_squeeze %dma_start3A_595 : memref<1x128xi32, #tpu.memory_space<vmem>> -> memref<128xi32, #tpu.memory_space<vmem>>
      %dma_start3A_597 = arith.constant 0 : i32
      %dma_start3A_598 = arith.constant 0 : i32
      %dma_start3A_599 = tpu.memref_slice %arg26[%dma_start3A_597, %dma_start3A_598] : memref<10112x128xbf16, #tpu.memory_space<vmem_shared>> -> memref<10112x128xbf16, #tpu.memory_space<vmem_shared>>
      tpu.enqueue_indirect_dma source(%arg18 : memref<128x128xbf16, #tpu.memory_space<vmem>>) target(%dma_start3A_599 : memref<10112x128xbf16, #tpu.memory_space<vmem_shared>>) offsets(%dma_start3A_596 : memref<128xi32, #tpu.memory_space<vmem>>) semaphore(%arg49 : memref<!tpu.dma_semaphore, #tpu.memory_space<semaphore_mem>>) {add = true}
      %dma_wait3A_600 = arith.constant 0 : i32
      %dma_wait3A_601 = arith.constant 0 : i32
      %dma_wait3A_602 = tpu.memref_slice %arg9[%dma_wait3A_600, %dma_wait3A_601] : memref<2x128xi32, #tpu.memory_space<vmem>> -> memref<1x128xi32, #tpu.memory_space<vmem>>
      %dma_wait3A_603 = tpu.memref_squeeze %dma_wait3A_602 : memref<1x128xi32, #tpu.memory_space<vmem>> -> memref<128xi32, #tpu.memory_space<vmem>>
      %dma_wait3A_604 = arith.constant 0 : i32
      %dma_wait3A_605 = arith.constant 0 : i32
      %dma_wait3A_606 = tpu.memref_slice %arg3[%dma_wait3A_604, %dma_wait3A_605] : memref<10000x128xbf16, #tpu.memory_space<hbm>> -> memref<10000x128xbf16, #tpu.memory_space<hbm>>
      tpu.wait_indirect_dma semaphore(%arg40 : memref<!tpu.dma_semaphore, #tpu.memory_space<semaphore_mem>>) src(%dma_wait3A_606 : memref<10000x128xbf16, #tpu.memory_space<hbm>>) dst(%arg19 : memref<128x128xbf16, #tpu.memory_space<vmem>>)
      %dma_start3A_607 = arith.constant 1 : i32
      %dma_start3A_608 = arith.constant 0 : i32
      %dma_start3A_609 = tpu.memref_slice %arg9[%dma_start3A_607, %dma_start3A_608] : memref<2x128xi32, #tpu.memory_space<vmem>> -> memref<1x128xi32, #tpu.memory_space<vmem>>
      %dma_start3A_610 = tpu.memref_squeeze %dma_start3A_609 : memref<1x128xi32, #tpu.memory_space<vmem>> -> memref<128xi32, #tpu.memory_space<vmem>>
      %dma_start3A_611 = arith.constant 0 : i32
      %dma_start3A_612 = arith.constant 0 : i32
      %dma_start3A_613 = tpu.memref_slice %arg26[%dma_start3A_611, %dma_start3A_612] : memref<10112x128xbf16, #tpu.memory_space<vmem_shared>> -> memref<10112x128xbf16, #tpu.memory_space<vmem_shared>>
      tpu.enqueue_indirect_dma source(%arg19 : memref<128x128xbf16, #tpu.memory_space<vmem>>) target(%dma_start3A_613 : memref<10112x128xbf16, #tpu.memory_space<vmem_shared>>) offsets(%dma_start3A_610 : memref<128xi32, #tpu.memory_space<vmem>>) semaphore(%arg50 : memref<!tpu.dma_semaphore, #tpu.memory_space<semaphore_mem>>) {add = true}
      %dma_wait3A_614 = arith.constant 0 : i32
      %dma_wait3A_615 = arith.constant 0 : i32
      %dma_wait3A_616 = tpu.memref_slice %arg10[%dma_wait3A_614, %dma_wait3A_615] : memref<2x128xi32, #tpu.memory_space<vmem>> -> memref<1x128xi32, #tpu.memory_space<vmem>>
      %dma_wait3A_617 = tpu.memref_squeeze %dma_wait3A_616 : memref<1x128xi32, #tpu.memory_space<vmem>> -> memref<128xi32, #tpu.memory_space<vmem>>
      %dma_wait3A_618 = arith.constant 0 : i32
      %dma_wait3A_619 = arith.constant 0 : i32
      %dma_wait3A_620 = tpu.memref_slice %arg3[%dma_wait3A_618, %dma_wait3A_619] : memref<10000x128xbf16, #tpu.memory_space<hbm>> -> memref<10000x128xbf16, #tpu.memory_space<hbm>>
      tpu.wait_indirect_dma semaphore(%arg41 : memref<!tpu.dma_semaphore, #tpu.memory_space<semaphore_mem>>) src(%dma_wait3A_620 : memref<10000x128xbf16, #tpu.memory_space<hbm>>) dst(%arg20 : memref<128x128xbf16, #tpu.memory_space<vmem>>)
      %dma_start3A_621 = arith.constant 1 : i32
      %dma_start3A_622 = arith.constant 0 : i32
      %dma_start3A_623 = tpu.memref_slice %arg10[%dma_start3A_621, %dma_start3A_622] : memref<2x128xi32, #tpu.memory_space<vmem>> -> memref<1x128xi32, #tpu.memory_space<vmem>>
      %dma_start3A_624 = tpu.memref_squeeze %dma_start3A_623 : memref<1x128xi32, #tpu.memory_space<vmem>> -> memref<128xi32, #tpu.memory_space<vmem>>
      %dma_start3A_625 = arith.constant 0 : i32
      %dma_start3A_626 = arith.constant 0 : i32
      %dma_start3A_627 = tpu.memref_slice %arg26[%dma_start3A_625, %dma_start3A_626] : memref<10112x128xbf16, #tpu.memory_space<vmem_shared>> -> memref<10112x128xbf16, #tpu.memory_space<vmem_shared>>
      tpu.enqueue_indirect_dma source(%arg20 : memref<128x128xbf16, #tpu.memory_space<vmem>>) target(%dma_start3A_627 : memref<10112x128xbf16, #tpu.memory_space<vmem_shared>>) offsets(%dma_start3A_624 : memref<128xi32, #tpu.memory_space<vmem>>) semaphore(%arg51 : memref<!tpu.dma_semaphore, #tpu.memory_space<semaphore_mem>>) {add = true}
      %dma_wait3A_628 = arith.constant 0 : i32
      %dma_wait3A_629 = arith.constant 0 : i32
      %dma_wait3A_630 = tpu.memref_slice %arg11[%dma_wait3A_628, %dma_wait3A_629] : memref<2x128xi32, #tpu.memory_space<vmem>> -> memref<1x128xi32, #tpu.memory_space<vmem>>
      %dma_wait3A_631 = tpu.memref_squeeze %dma_wait3A_630 : memref<1x128xi32, #tpu.memory_space<vmem>> -> memref<128xi32, #tpu.memory_space<vmem>>
      %dma_wait3A_632 = arith.constant 0 : i32
      %dma_wait3A_633 = arith.constant 0 : i32
      %dma_wait3A_634 = tpu.memref_slice %arg3[%dma_wait3A_632, %dma_wait3A_633] : memref<10000x128xbf16, #tpu.memory_space<hbm>> -> memref<10000x128xbf16, #tpu.memory_space<hbm>>
      tpu.wait_indirect_dma semaphore(%arg42 : memref<!tpu.dma_semaphore, #tpu.memory_space<semaphore_mem>>) src(%dma_wait3A_634 : memref<10000x128xbf16, #tpu.memory_space<hbm>>) dst(%arg21 : memref<128x128xbf16, #tpu.memory_space<vmem>>)
      %dma_start3A_635 = arith.constant 1 : i32
      %dma_start3A_636 = arith.constant 0 : i32
      %dma_start3A_637 = tpu.memref_slice %arg11[%dma_start3A_635, %dma_start3A_636] : memref<2x128xi32, #tpu.memory_space<vmem>> -> memref<1x128xi32, #tpu.memory_space<vmem>>
      %dma_start3A_638 = tpu.memref_squeeze %dma_start3A_637 : memref<1x128xi32, #tpu.memory_space<vmem>> -> memref<128xi32, #tpu.memory_space<vmem>>
      %dma_start3A_639 = arith.constant 0 : i32
      %dma_start3A_640 = arith.constant 0 : i32
      %dma_start3A_641 = tpu.memref_slice %arg26[%dma_start3A_639, %dma_start3A_640] : memref<10112x128xbf16, #tpu.memory_space<vmem_shared>> -> memref<10112x128xbf16, #tpu.memory_space<vmem_shared>>
      tpu.enqueue_indirect_dma source(%arg21 : memref<128x128xbf16, #tpu.memory_space<vmem>>) target(%dma_start3A_641 : memref<10112x128xbf16, #tpu.memory_space<vmem_shared>>) offsets(%dma_start3A_638 : memref<128xi32, #tpu.memory_space<vmem>>) semaphore(%arg52 : memref<!tpu.dma_semaphore, #tpu.memory_space<semaphore_mem>>) {add = true}
      %dma_wait3A_642 = arith.constant 0 : i32
      %dma_wait3A_643 = arith.constant 0 : i32
      %dma_wait3A_644 = tpu.memref_slice %arg12[%dma_wait3A_642, %dma_wait3A_643] : memref<2x128xi32, #tpu.memory_space<vmem>> -> memref<1x128xi32, #tpu.memory_space<vmem>>
      %dma_wait3A_645 = tpu.memref_squeeze %dma_wait3A_644 : memref<1x128xi32, #tpu.memory_space<vmem>> -> memref<128xi32, #tpu.memory_space<vmem>>
      %dma_wait3A_646 = arith.constant 0 : i32
      %dma_wait3A_647 = arith.constant 0 : i32
      %dma_wait3A_648 = tpu.memref_slice %arg3[%dma_wait3A_646, %dma_wait3A_647] : memref<10000x128xbf16, #tpu.memory_space<hbm>> -> memref<10000x128xbf16, #tpu.memory_space<hbm>>
      tpu.wait_indirect_dma semaphore(%arg43 : memref<!tpu.dma_semaphore, #tpu.memory_space<semaphore_mem>>) src(%dma_wait3A_648 : memref<10000x128xbf16, #tpu.memory_space<hbm>>) dst(%arg22 : memref<128x128xbf16, #tpu.memory_space<vmem>>)
      %dma_start3A_649 = arith.constant 1 : i32
      %dma_start3A_650 = arith.constant 0 : i32
      %dma_start3A_651 = tpu.memref_slice %arg12[%dma_start3A_649, %dma_start3A_650] : memref<2x128xi32, #tpu.memory_space<vmem>> -> memref<1x128xi32, #tpu.memory_space<vmem>>
      %dma_start3A_652 = tpu.memref_squeeze %dma_start3A_651 : memref<1x128xi32, #tpu.memory_space<vmem>> -> memref<128xi32, #tpu.memory_space<vmem>>
      %dma_start3A_653 = arith.constant 0 : i32
      %dma_start3A_654 = arith.constant 0 : i32
      %dma_start3A_655 = tpu.memref_slice %arg26[%dma_start3A_653, %dma_start3A_654] : memref<10112x128xbf16, #tpu.memory_space<vmem_shared>> -> memref<10112x128xbf16, #tpu.memory_space<vmem_shared>>
      tpu.enqueue_indirect_dma source(%arg22 : memref<128x128xbf16, #tpu.memory_space<vmem>>) target(%dma_start3A_655 : memref<10112x128xbf16, #tpu.memory_space<vmem_shared>>) offsets(%dma_start3A_652 : memref<128xi32, #tpu.memory_space<vmem>>) semaphore(%arg53 : memref<!tpu.dma_semaphore, #tpu.memory_space<semaphore_mem>>) {add = true}
      %dma_wait3A_656 = arith.constant 0 : i32
      %dma_wait3A_657 = arith.constant 0 : i32
      %dma_wait3A_658 = tpu.memref_slice %arg13[%dma_wait3A_656, %dma_wait3A_657] : memref<2x128xi32, #tpu.memory_space<vmem>> -> memref<1x128xi32, #tpu.memory_space<vmem>>
      %dma_wait3A_659 = tpu.memref_squeeze %dma_wait3A_658 : memref<1x128xi32, #tpu.memory_space<vmem>> -> memref<128xi32, #tpu.memory_space<vmem>>
      %dma_wait3A_660 = arith.constant 0 : i32
      %dma_wait3A_661 = arith.constant 0 : i32
      %dma_wait3A_662 = tpu.memref_slice %arg3[%dma_wait3A_660, %dma_wait3A_661] : memref<10000x128xbf16, #tpu.memory_space<hbm>> -> memref<10000x128xbf16, #tpu.memory_space<hbm>>
      tpu.wait_indirect_dma semaphore(%arg44 : memref<!tpu.dma_semaphore, #tpu.memory_space<semaphore_mem>>) src(%dma_wait3A_662 : memref<10000x128xbf16, #tpu.memory_space<hbm>>) dst(%arg23 : memref<128x128xbf16, #tpu.memory_space<vmem>>)
      %dma_start3A_663 = arith.constant 1 : i32
      %dma_start3A_664 = arith.constant 0 : i32
      %dma_start3A_665 = tpu.memref_slice %arg13[%dma_start3A_663, %dma_start3A_664] : memref<2x128xi32, #tpu.memory_space<vmem>> -> memref<1x128xi32, #tpu.memory_space<vmem>>
      %dma_start3A_666 = tpu.memref_squeeze %dma_start3A_665 : memref<1x128xi32, #tpu.memory_space<vmem>> -> memref<128xi32, #tpu.memory_space<vmem>>
      %dma_start3A_667 = arith.constant 0 : i32
      %dma_start3A_668 = arith.constant 0 : i32
      %dma_start3A_669 = tpu.memref_slice %arg26[%dma_start3A_667, %dma_start3A_668] : memref<10112x128xbf16, #tpu.memory_space<vmem_shared>> -> memref<10112x128xbf16, #tpu.memory_space<vmem_shared>>
      tpu.enqueue_indirect_dma source(%arg23 : memref<128x128xbf16, #tpu.memory_space<vmem>>) target(%dma_start3A_669 : memref<10112x128xbf16, #tpu.memory_space<vmem_shared>>) offsets(%dma_start3A_666 : memref<128xi32, #tpu.memory_space<vmem>>) semaphore(%arg54 : memref<!tpu.dma_semaphore, #tpu.memory_space<semaphore_mem>>) {add = true}
      %dma_wait3A_670 = arith.constant 0 : i32
      %dma_wait3A_671 = arith.constant 0 : i32
      %dma_wait3A_672 = tpu.memref_slice %arg14[%dma_wait3A_670, %dma_wait3A_671] : memref<2x128xi32, #tpu.memory_space<vmem>> -> memref<1x128xi32, #tpu.memory_space<vmem>>
      %dma_wait3A_673 = tpu.memref_squeeze %dma_wait3A_672 : memref<1x128xi32, #tpu.memory_space<vmem>> -> memref<128xi32, #tpu.memory_space<vmem>>
      %dma_wait3A_674 = arith.constant 0 : i32
      %dma_wait3A_675 = arith.constant 0 : i32
      %dma_wait3A_676 = tpu.memref_slice %arg3[%dma_wait3A_674, %dma_wait3A_675] : memref<10000x128xbf16, #tpu.memory_space<hbm>> -> memref<10000x128xbf16, #tpu.memory_space<hbm>>
      tpu.wait_indirect_dma semaphore(%arg45 : memref<!tpu.dma_semaphore, #tpu.memory_space<semaphore_mem>>) src(%dma_wait3A_676 : memref<10000x128xbf16, #tpu.memory_space<hbm>>) dst(%arg24 : memref<128x128xbf16, #tpu.memory_space<vmem>>)
      %dma_start3A_677 = arith.constant 1 : i32
      %dma_start3A_678 = arith.constant 0 : i32
      %dma_start3A_679 = tpu.memref_slice %arg14[%dma_start3A_677, %dma_start3A_678] : memref<2x128xi32, #tpu.memory_space<vmem>> -> memref<1x128xi32, #tpu.memory_space<vmem>>
      %dma_start3A_680 = tpu.memref_squeeze %dma_start3A_679 : memref<1x128xi32, #tpu.memory_space<vmem>> -> memref<128xi32, #tpu.memory_space<vmem>>
      %dma_start3A_681 = arith.constant 0 : i32
      %dma_start3A_682 = arith.constant 0 : i32
      %dma_start3A_683 = tpu.memref_slice %arg26[%dma_start3A_681, %dma_start3A_682] : memref<10112x128xbf16, #tpu.memory_space<vmem_shared>> -> memref<10112x128xbf16, #tpu.memory_space<vmem_shared>>
      tpu.enqueue_indirect_dma source(%arg24 : memref<128x128xbf16, #tpu.memory_space<vmem>>) target(%dma_start3A_683 : memref<10112x128xbf16, #tpu.memory_space<vmem_shared>>) offsets(%dma_start3A_680 : memref<128xi32, #tpu.memory_space<vmem>>) semaphore(%arg55 : memref<!tpu.dma_semaphore, #tpu.memory_space<semaphore_mem>>) {add = true}
      %dma_wait3A_684 = arith.constant 0 : i32
      %dma_wait3A_685 = arith.constant 0 : i32
      %dma_wait3A_686 = tpu.memref_slice %arg15[%dma_wait3A_684, %dma_wait3A_685] : memref<2x128xi32, #tpu.memory_space<vmem>> -> memref<1x128xi32, #tpu.memory_space<vmem>>
      %dma_wait3A_687 = tpu.memref_squeeze %dma_wait3A_686 : memref<1x128xi32, #tpu.memory_space<vmem>> -> memref<128xi32, #tpu.memory_space<vmem>>
      %dma_wait3A_688 = arith.constant 0 : i32
      %dma_wait3A_689 = arith.constant 0 : i32
      %dma_wait3A_690 = tpu.memref_slice %arg3[%dma_wait3A_688, %dma_wait3A_689] : memref<10000x128xbf16, #tpu.memory_space<hbm>> -> memref<10000x128xbf16, #tpu.memory_space<hbm>>
      tpu.wait_indirect_dma semaphore(%arg46 : memref<!tpu.dma_semaphore, #tpu.memory_space<semaphore_mem>>) src(%dma_wait3A_690 : memref<10000x128xbf16, #tpu.memory_space<hbm>>) dst(%arg25 : memref<128x128xbf16, #tpu.memory_space<vmem>>)
      %dma_start3A_691 = arith.constant 1 : i32
      %dma_start3A_692 = arith.constant 0 : i32
      %dma_start3A_693 = tpu.memref_slice %arg15[%dma_start3A_691, %dma_start3A_692] : memref<2x128xi32, #tpu.memory_space<vmem>> -> memref<1x128xi32, #tpu.memory_space<vmem>>
      %dma_start3A_694 = tpu.memref_squeeze %dma_start3A_693 : memref<1x128xi32, #tpu.memory_space<vmem>> -> memref<128xi32, #tpu.memory_space<vmem>>
      %dma_start3A_695 = arith.constant 0 : i32
      %dma_start3A_696 = arith.constant 0 : i32
      %dma_start3A_697 = tpu.memref_slice %arg26[%dma_start3A_695, %dma_start3A_696] : memref<10112x128xbf16, #tpu.memory_space<vmem_shared>> -> memref<10112x128xbf16, #tpu.memory_space<vmem_shared>>
      tpu.enqueue_indirect_dma source(%arg25 : memref<128x128xbf16, #tpu.memory_space<vmem>>) target(%dma_start3A_697 : memref<10112x128xbf16, #tpu.memory_space<vmem_shared>>) offsets(%dma_start3A_694 : memref<128xi32, #tpu.memory_space<vmem>>) semaphore(%arg56 : memref<!tpu.dma_semaphore, #tpu.memory_space<semaphore_mem>>) {add = true}
      %dma_wait3A_698 = arith.constant 1 : i32
      %dma_wait3A_699 = arith.constant 0 : i32
      %dma_wait3A_700 = tpu.memref_slice %arg6[%dma_wait3A_698, %dma_wait3A_699] : memref<2x128xi32, #tpu.memory_space<vmem>> -> memref<1x128xi32, #tpu.memory_space<vmem>>
      %dma_wait3A_701 = tpu.memref_squeeze %dma_wait3A_700 : memref<1x128xi32, #tpu.memory_space<vmem>> -> memref<128xi32, #tpu.memory_space<vmem>>
      %dma_wait3A_702 = arith.constant 0 : i32
      %dma_wait3A_703 = arith.constant 0 : i32
      %dma_wait3A_704 = tpu.memref_slice %arg26[%dma_wait3A_702, %dma_wait3A_703] : memref<10112x128xbf16, #tpu.memory_space<vmem_shared>> -> memref<10112x128xbf16, #tpu.memory_space<vmem_shared>>
      tpu.wait_indirect_dma semaphore(%arg47 : memref<!tpu.dma_semaphore, #tpu.memory_space<semaphore_mem>>) src(%arg16 : memref<128x128xbf16, #tpu.memory_space<vmem>>) dst(%dma_wait3A_704 : memref<10112x128xbf16, #tpu.memory_space<vmem_shared>>)
      %dma_wait3A_705 = arith.constant 1 : i32
      %dma_wait3A_706 = arith.constant 0 : i32
      %dma_wait3A_707 = tpu.memref_slice %arg7[%dma_wait3A_705, %dma_wait3A_706] : memref<2x128xi32, #tpu.memory_space<vmem>> -> memref<1x128xi32, #tpu.memory_space<vmem>>
      %dma_wait3A_708 = tpu.memref_squeeze %dma_wait3A_707 : memref<1x128xi32, #tpu.memory_space<vmem>> -> memref<128xi32, #tpu.memory_space<vmem>>
      %dma_wait3A_709 = arith.constant 0 : i32
      %dma_wait3A_710 = arith.constant 0 : i32
      %dma_wait3A_711 = tpu.memref_slice %arg26[%dma_wait3A_709, %dma_wait3A_710] : memref<10112x128xbf16, #tpu.memory_space<vmem_shared>> -> memref<10112x128xbf16, #tpu.memory_space<vmem_shared>>
      tpu.wait_indirect_dma semaphore(%arg48 : memref<!tpu.dma_semaphore, #tpu.memory_space<semaphore_mem>>) src(%arg17 : memref<128x128xbf16, #tpu.memory_space<vmem>>) dst(%dma_wait3A_711 : memref<10112x128xbf16, #tpu.memory_space<vmem_shared>>)
      %dma_wait3A_712 = arith.constant 1 : i32
      %dma_wait3A_713 = arith.constant 0 : i32
      %dma_wait3A_714 = tpu.memref_slice %arg8[%dma_wait3A_712, %dma_wait3A_713] : memref<2x128xi32, #tpu.memory_space<vmem>> -> memref<1x128xi32, #tpu.memory_space<vmem>>
      %dma_wait3A_715 = tpu.memref_squeeze %dma_wait3A_714 : memref<1x128xi32, #tpu.memory_space<vmem>> -> memref<128xi32, #tpu.memory_space<vmem>>
      %dma_wait3A_716 = arith.constant 0 : i32
      %dma_wait3A_717 = arith.constant 0 : i32
      %dma_wait3A_718 = tpu.memref_slice %arg26[%dma_wait3A_716, %dma_wait3A_717] : memref<10112x128xbf16, #tpu.memory_space<vmem_shared>> -> memref<10112x128xbf16, #tpu.memory_space<vmem_shared>>
      tpu.wait_indirect_dma semaphore(%arg49 : memref<!tpu.dma_semaphore, #tpu.memory_space<semaphore_mem>>) src(%arg18 : memref<128x128xbf16, #tpu.memory_space<vmem>>) dst(%dma_wait3A_718 : memref<10112x128xbf16, #tpu.memory_space<vmem_shared>>)
      %dma_wait3A_719 = arith.constant 1 : i32
      %dma_wait3A_720 = arith.constant 0 : i32
      %dma_wait3A_721 = tpu.memref_slice %arg9[%dma_wait3A_719, %dma_wait3A_720] : memref<2x128xi32, #tpu.memory_space<vmem>> -> memref<1x128xi32, #tpu.memory_space<vmem>>
      %dma_wait3A_722 = tpu.memref_squeeze %dma_wait3A_721 : memref<1x128xi32, #tpu.memory_space<vmem>> -> memref<128xi32, #tpu.memory_space<vmem>>
      %dma_wait3A_723 = arith.constant 0 : i32
      %dma_wait3A_724 = arith.constant 0 : i32
      %dma_wait3A_725 = tpu.memref_slice %arg26[%dma_wait3A_723, %dma_wait3A_724] : memref<10112x128xbf16, #tpu.memory_space<vmem_shared>> -> memref<10112x128xbf16, #tpu.memory_space<vmem_shared>>
      tpu.wait_indirect_dma semaphore(%arg50 : memref<!tpu.dma_semaphore, #tpu.memory_space<semaphore_mem>>) src(%arg19 : memref<128x128xbf16, #tpu.memory_space<vmem>>) dst(%dma_wait3A_725 : memref<10112x128xbf16, #tpu.memory_space<vmem_shared>>)
      %dma_wait3A_726 = arith.constant 1 : i32
      %dma_wait3A_727 = arith.constant 0 : i32
      %dma_wait3A_728 = tpu.memref_slice %arg10[%dma_wait3A_726, %dma_wait3A_727] : memref<2x128xi32, #tpu.memory_space<vmem>> -> memref<1x128xi32, #tpu.memory_space<vmem>>
      %dma_wait3A_729 = tpu.memref_squeeze %dma_wait3A_728 : memref<1x128xi32, #tpu.memory_space<vmem>> -> memref<128xi32, #tpu.memory_space<vmem>>
      %dma_wait3A_730 = arith.constant 0 : i32
      %dma_wait3A_731 = arith.constant 0 : i32
      %dma_wait3A_732 = tpu.memref_slice %arg26[%dma_wait3A_730, %dma_wait3A_731] : memref<10112x128xbf16, #tpu.memory_space<vmem_shared>> -> memref<10112x128xbf16, #tpu.memory_space<vmem_shared>>
      tpu.wait_indirect_dma semaphore(%arg51 : memref<!tpu.dma_semaphore, #tpu.memory_space<semaphore_mem>>) src(%arg20 : memref<128x128xbf16, #tpu.memory_space<vmem>>) dst(%dma_wait3A_732 : memref<10112x128xbf16, #tpu.memory_space<vmem_shared>>)
      %dma_wait3A_733 = arith.constant 1 : i32
      %dma_wait3A_734 = arith.constant 0 : i32
      %dma_wait3A_735 = tpu.memref_slice %arg11[%dma_wait3A_733, %dma_wait3A_734] : memref<2x128xi32, #tpu.memory_space<vmem>> -> memref<1x128xi32, #tpu.memory_space<vmem>>
      %dma_wait3A_736 = tpu.memref_squeeze %dma_wait3A_735 : memref<1x128xi32, #tpu.memory_space<vmem>> -> memref<128xi32, #tpu.memory_space<vmem>>
      %dma_wait3A_737 = arith.constant 0 : i32
      %dma_wait3A_738 = arith.constant 0 : i32
      %dma_wait3A_739 = tpu.memref_slice %arg26[%dma_wait3A_737, %dma_wait3A_738] : memref<10112x128xbf16, #tpu.memory_space<vmem_shared>> -> memref<10112x128xbf16, #tpu.memory_space<vmem_shared>>
      tpu.wait_indirect_dma semaphore(%arg52 : memref<!tpu.dma_semaphore, #tpu.memory_space<semaphore_mem>>) src(%arg21 : memref<128x128xbf16, #tpu.memory_space<vmem>>) dst(%dma_wait3A_739 : memref<10112x128xbf16, #tpu.memory_space<vmem_shared>>)
      %dma_wait3A_740 = arith.constant 1 : i32
      %dma_wait3A_741 = arith.constant 0 : i32
      %dma_wait3A_742 = tpu.memref_slice %arg12[%dma_wait3A_740, %dma_wait3A_741] : memref<2x128xi32, #tpu.memory_space<vmem>> -> memref<1x128xi32, #tpu.memory_space<vmem>>
      %dma_wait3A_743 = tpu.memref_squeeze %dma_wait3A_742 : memref<1x128xi32, #tpu.memory_space<vmem>> -> memref<128xi32, #tpu.memory_space<vmem>>
      %dma_wait3A_744 = arith.constant 0 : i32
      %dma_wait3A_745 = arith.constant 0 : i32
      %dma_wait3A_746 = tpu.memref_slice %arg26[%dma_wait3A_744, %dma_wait3A_745] : memref<10112x128xbf16, #tpu.memory_space<vmem_shared>> -> memref<10112x128xbf16, #tpu.memory_space<vmem_shared>>
      tpu.wait_indirect_dma semaphore(%arg53 : memref<!tpu.dma_semaphore, #tpu.memory_space<semaphore_mem>>) src(%arg22 : memref<128x128xbf16, #tpu.memory_space<vmem>>) dst(%dma_wait3A_746 : memref<10112x128xbf16, #tpu.memory_space<vmem_shared>>)
      %dma_wait3A_747 = arith.constant 1 : i32
      %dma_wait3A_748 = arith.constant 0 : i32
      %dma_wait3A_749 = tpu.memref_slice %arg13[%dma_wait3A_747, %dma_wait3A_748] : memref<2x128xi32, #tpu.memory_space<vmem>> -> memref<1x128xi32, #tpu.memory_space<vmem>>
      %dma_wait3A_750 = tpu.memref_squeeze %dma_wait3A_749 : memref<1x128xi32, #tpu.memory_space<vmem>> -> memref<128xi32, #tpu.memory_space<vmem>>
      %dma_wait3A_751 = arith.constant 0 : i32
      %dma_wait3A_752 = arith.constant 0 : i32
      %dma_wait3A_753 = tpu.memref_slice %arg26[%dma_wait3A_751, %dma_wait3A_752] : memref<10112x128xbf16, #tpu.memory_space<vmem_shared>> -> memref<10112x128xbf16, #tpu.memory_space<vmem_shared>>
      tpu.wait_indirect_dma semaphore(%arg54 : memref<!tpu.dma_semaphore, #tpu.memory_space<semaphore_mem>>) src(%arg23 : memref<128x128xbf16, #tpu.memory_space<vmem>>) dst(%dma_wait3A_753 : memref<10112x128xbf16, #tpu.memory_space<vmem_shared>>)
      %dma_wait3A_754 = arith.constant 1 : i32
      %dma_wait3A_755 = arith.constant 0 : i32
      %dma_wait3A_756 = tpu.memref_slice %arg14[%dma_wait3A_754, %dma_wait3A_755] : memref<2x128xi32, #tpu.memory_space<vmem>> -> memref<1x128xi32, #tpu.memory_space<vmem>>
      %dma_wait3A_757 = tpu.memref_squeeze %dma_wait3A_756 : memref<1x128xi32, #tpu.memory_space<vmem>> -> memref<128xi32, #tpu.memory_space<vmem>>
      %dma_wait3A_758 = arith.constant 0 : i32
      %dma_wait3A_759 = arith.constant 0 : i32
      %dma_wait3A_760 = tpu.memref_slice %arg26[%dma_wait3A_758, %dma_wait3A_759] : memref<10112x128xbf16, #tpu.memory_space<vmem_shared>> -> memref<10112x128xbf16, #tpu.memory_space<vmem_shared>>
      tpu.wait_indirect_dma semaphore(%arg55 : memref<!tpu.dma_semaphore, #tpu.memory_space<semaphore_mem>>) src(%arg24 : memref<128x128xbf16, #tpu.memory_space<vmem>>) dst(%dma_wait3A_760 : memref<10112x128xbf16, #tpu.memory_space<vmem_shared>>)
      %dma_wait3A_761 = arith.constant 1 : i32
      %dma_wait3A_762 = arith.constant 0 : i32
      %dma_wait3A_763 = tpu.memref_slice %arg15[%dma_wait3A_761, %dma_wait3A_762] : memref<2x128xi32, #tpu.memory_space<vmem>> -> memref<1x128xi32, #tpu.memory_space<vmem>>
      %dma_wait3A_764 = tpu.memref_squeeze %dma_wait3A_763 : memref<1x128xi32, #tpu.memory_space<vmem>> -> memref<128xi32, #tpu.memory_space<vmem>>
      %dma_wait3A_765 = arith.constant 0 : i32
      %dma_wait3A_766 = arith.constant 0 : i32
      %dma_wait3A_767 = tpu.memref_slice %arg26[%dma_wait3A_765, %dma_wait3A_766] : memref<10112x128xbf16, #tpu.memory_space<vmem_shared>> -> memref<10112x128xbf16, #tpu.memory_space<vmem_shared>>
      tpu.wait_indirect_dma semaphore(%arg56 : memref<!tpu.dma_semaphore, #tpu.memory_space<semaphore_mem>>) src(%arg25 : memref<128x128xbf16, #tpu.memory_space<vmem>>) dst(%dma_wait3A_767 : memref<10112x128xbf16, #tpu.memory_space<vmem_shared>>)
    }
    %scan3A_9 = arith.constant 7 : i32
    %add3A_10 = arith.constant 2240 : i32
    %add3A_11 = arith.addi %add3A_10, %add3A : i32
    %mul3A_12 = arith.constant 128 : i32
    %mul3A_13 = arith.muli %add3A_11, %mul3A_12 : i32
    %dma_start3A = arith.constant 0 : i32
    %dma_start3A_14 = tpu.memref_slice %arg2[%dma_start3A, %mul3A_13] : memref<2x320000xi32, #tpu.memory_space<hbm>> -> memref<2x128xi32, #tpu.memory_space<hbm>>
    %dma_start3A_15 = arith.constant 0 : i32
    %dma_start3A_16 = tpu.memref_slice %arg2[%dma_start3A_15, %mul3A_13] : memref<2x320000xi32, #tpu.memory_space<hbm>> -> memref<2x128xi32, #tpu.memory_space<hbm>>
    tpu.enqueue_dma source(%dma_start3A_16 : memref<2x128xi32, #tpu.memory_space<hbm>>) target(%arg6 : memref<2x128xi32, #tpu.memory_space<vmem>>) target_semaphore(%arg27 : memref<!tpu.dma_semaphore, #tpu.memory_space<semaphore_mem>>)
    %add3A_17 = arith.constant 2272 : i32
    %add3A_18 = arith.addi %add3A_17, %add3A : i32
    %mul3A_19 = arith.constant 128 : i32
    %mul3A_20 = arith.muli %add3A_18, %mul3A_19 : i32
    %dma_start3A_21 = arith.constant 0 : i32
    %dma_start3A_22 = tpu.memref_slice %arg2[%dma_start3A_21, %mul3A_20] : memref<2x320000xi32, #tpu.memory_space<hbm>> -> memref<2x128xi32, #tpu.memory_space<hbm>>
    %dma_start3A_23 = arith.constant 0 : i32
    %dma_start3A_24 = tpu.memref_slice %arg2[%dma_start3A_23, %mul3A_20] : memref<2x320000xi32, #tpu.memory_space<hbm>> -> memref<2x128xi32, #tpu.memory_space<hbm>>
    tpu.enqueue_dma source(%dma_start3A_24 : memref<2x128xi32, #tpu.memory_space<hbm>>) target(%arg7 : memref<2x128xi32, #tpu.memory_space<vmem>>) target_semaphore(%arg28 : memref<!tpu.dma_semaphore, #tpu.memory_space<semaphore_mem>>)
    %add3A_25 = arith.constant 2304 : i32
    %add3A_26 = arith.addi %add3A_25, %add3A : i32
    %mul3A_27 = arith.constant 128 : i32
    %mul3A_28 = arith.muli %add3A_26, %mul3A_27 : i32
    %dma_start3A_29 = arith.constant 0 : i32
    %dma_start3A_30 = tpu.memref_slice %arg2[%dma_start3A_29, %mul3A_28] : memref<2x320000xi32, #tpu.memory_space<hbm>> -> memref<2x128xi32, #tpu.memory_space<hbm>>
    %dma_start3A_31 = arith.constant 0 : i32
    %dma_start3A_32 = tpu.memref_slice %arg2[%dma_start3A_31, %mul3A_28] : memref<2x320000xi32, #tpu.memory_space<hbm>> -> memref<2x128xi32, #tpu.memory_space<hbm>>
    tpu.enqueue_dma source(%dma_start3A_32 : memref<2x128xi32, #tpu.memory_space<hbm>>) target(%arg8 : memref<2x128xi32, #tpu.memory_space<vmem>>) target_semaphore(%arg29 : memref<!tpu.dma_semaphore, #tpu.memory_space<semaphore_mem>>)
    %add3A_33 = arith.constant 2336 : i32
    %add3A_34 = arith.addi %add3A_33, %add3A : i32
    %mul3A_35 = arith.constant 128 : i32
    %mul3A_36 = arith.muli %add3A_34, %mul3A_35 : i32
    %dma_start3A_37 = arith.constant 0 : i32
    %dma_start3A_38 = tpu.memref_slice %arg2[%dma_start3A_37, %mul3A_36] : memref<2x320000xi32, #tpu.memory_space<hbm>> -> memref<2x128xi32, #tpu.memory_space<hbm>>
    %dma_start3A_39 = arith.constant 0 : i32
    %dma_start3A_40 = tpu.memref_slice %arg2[%dma_start3A_39, %mul3A_36] : memref<2x320000xi32, #tpu.memory_space<hbm>> -> memref<2x128xi32, #tpu.memory_space<hbm>>
    tpu.enqueue_dma source(%dma_start3A_40 : memref<2x128xi32, #tpu.memory_space<hbm>>) target(%arg9 : memref<2x128xi32, #tpu.memory_space<vmem>>) target_semaphore(%arg30 : memref<!tpu.dma_semaphore, #tpu.memory_space<semaphore_mem>>)
    %add3A_41 = arith.constant 2368 : i32
    %add3A_42 = arith.addi %add3A_41, %add3A : i32
    %mul3A_43 = arith.constant 128 : i32
    %mul3A_44 = arith.muli %add3A_42, %mul3A_43 : i32
    %dma_start3A_45 = arith.constant 0 : i32
    %dma_start3A_46 = tpu.memref_slice %arg2[%dma_start3A_45, %mul3A_44] : memref<2x320000xi32, #tpu.memory_space<hbm>> -> memref<2x128xi32, #tpu.memory_space<hbm>>
    %dma_start3A_47 = arith.constant 0 : i32
    %dma_start3A_48 = tpu.memref_slice %arg2[%dma_start3A_47, %mul3A_44] : memref<2x320000xi32, #tpu.memory_space<hbm>> -> memref<2x128xi32, #tpu.memory_space<hbm>>
    tpu.enqueue_dma source(%dma_start3A_48 : memref<2x128xi32, #tpu.memory_space<hbm>>) target(%arg10 : memref<2x128xi32, #tpu.memory_space<vmem>>) target_semaphore(%arg31 : memref<!tpu.dma_semaphore, #tpu.memory_space<semaphore_mem>>)
    %add3A_49 = arith.constant 2400 : i32
    %add3A_50 = arith.addi %add3A_49, %add3A : i32
    %mul3A_51 = arith.constant 128 : i32
    %mul3A_52 = arith.muli %add3A_50, %mul3A_51 : i32
    %dma_start3A_53 = arith.constant 0 : i32
    %dma_start3A_54 = tpu.memref_slice %arg2[%dma_start3A_53, %mul3A_52] : memref<2x320000xi32, #tpu.memory_space<hbm>> -> memref<2x128xi32, #tpu.memory_space<hbm>>
    %dma_start3A_55 = arith.constant 0 : i32
    %dma_start3A_56 = tpu.memref_slice %arg2[%dma_start3A_55, %mul3A_52] : memref<2x320000xi32, #tpu.memory_space<hbm>> -> memref<2x128xi32, #tpu.memory_space<hbm>>
    tpu.enqueue_dma source(%dma_start3A_56 : memref<2x128xi32, #tpu.memory_space<hbm>>) target(%arg11 : memref<2x128xi32, #tpu.memory_space<vmem>>) target_semaphore(%arg32 : memref<!tpu.dma_semaphore, #tpu.memory_space<semaphore_mem>>)
    %add3A_57 = arith.constant 2432 : i32
    %add3A_58 = arith.addi %add3A_57, %add3A : i32
    %mul3A_59 = arith.constant 128 : i32
    %mul3A_60 = arith.muli %add3A_58, %mul3A_59 : i32
    %dma_start3A_61 = arith.constant 0 : i32
    %dma_start3A_62 = tpu.memref_slice %arg2[%dma_start3A_61, %mul3A_60] : memref<2x320000xi32, #tpu.memory_space<hbm>> -> memref<2x128xi32, #tpu.memory_space<hbm>>
    %dma_start3A_63 = arith.constant 0 : i32
    %dma_start3A_64 = tpu.memref_slice %arg2[%dma_start3A_63, %mul3A_60] : memref<2x320000xi32, #tpu.memory_space<hbm>> -> memref<2x128xi32, #tpu.memory_space<hbm>>
    tpu.enqueue_dma source(%dma_start3A_64 : memref<2x128xi32, #tpu.memory_space<hbm>>) target(%arg12 : memref<2x128xi32, #tpu.memory_space<vmem>>) target_semaphore(%arg33 : memref<!tpu.dma_semaphore, #tpu.memory_space<semaphore_mem>>)
    %add3A_65 = arith.constant 2464 : i32
    %add3A_66 = arith.addi %add3A_65, %add3A : i32
    %mul3A_67 = arith.constant 128 : i32
    %mul3A_68 = arith.muli %add3A_66, %mul3A_67 : i32
    %dma_start3A_69 = arith.constant 0 : i32
    %dma_start3A_70 = tpu.memref_slice %arg2[%dma_start3A_69, %mul3A_68] : memref<2x320000xi32, #tpu.memory_space<hbm>> -> memref<2x128xi32, #tpu.memory_space<hbm>>
    %dma_start3A_71 = arith.constant 0 : i32
    %dma_start3A_72 = tpu.memref_slice %arg2[%dma_start3A_71, %mul3A_68] : memref<2x320000xi32, #tpu.memory_space<hbm>> -> memref<2x128xi32, #tpu.memory_space<hbm>>
    tpu.enqueue_dma source(%dma_start3A_72 : memref<2x128xi32, #tpu.memory_space<hbm>>) target(%arg13 : memref<2x128xi32, #tpu.memory_space<vmem>>) target_semaphore(%arg34 : memref<!tpu.dma_semaphore, #tpu.memory_space<semaphore_mem>>)
    %dma_wait3A = arith.constant 0 : i32
    %dma_wait3A_73 = tpu.memref_slice %arg2[%dma_wait3A, %mul3A_13] : memref<2x320000xi32, #tpu.memory_space<hbm>> -> memref<2x128xi32, #tpu.memory_space<hbm>>
    %dma_wait3A_74 = arith.constant 0 : i32
    %dma_wait3A_75 = tpu.memref_slice %arg2[%dma_wait3A_74, %mul3A_13] : memref<2x320000xi32, #tpu.memory_space<hbm>> -> memref<2x128xi32, #tpu.memory_space<hbm>>
    tpu.wait_dma2 semaphore(%arg27 : memref<!tpu.dma_semaphore, #tpu.memory_space<semaphore_mem>>) src(%dma_wait3A_75 : memref<2x128xi32, #tpu.memory_space<hbm>>) dst(%arg6 : memref<2x128xi32, #tpu.memory_space<vmem>>)
    %dma_start3A_76 = arith.constant 0 : i32
    %dma_start3A_77 = arith.constant 0 : i32
    %dma_start3A_78 = tpu.memref_slice %arg6[%dma_start3A_76, %dma_start3A_77] : memref<2x128xi32, #tpu.memory_space<vmem>> -> memref<1x128xi32, #tpu.memory_space<vmem>>
    %dma_start3A_79 = tpu.memref_squeeze %dma_start3A_78 : memref<1x128xi32, #tpu.memory_space<vmem>> -> memref<128xi32, #tpu.memory_space<vmem>>
    %dma_start3A_80 = arith.constant 0 : i32
    %dma_start3A_81 = arith.constant 0 : i32
    %dma_start3A_82 = tpu.memref_slice %arg3[%dma_start3A_80, %dma_start3A_81] : memref<10000x128xbf16, #tpu.memory_space<hbm>> -> memref<10000x128xbf16, #tpu.memory_space<hbm>>
    tpu.enqueue_indirect_dma source(%dma_start3A_82 : memref<10000x128xbf16, #tpu.memory_space<hbm>>) target(%arg16 : memref<128x128xbf16, #tpu.memory_space<vmem>>) offsets(%dma_start3A_79 : memref<128xi32, #tpu.memory_space<vmem>>) semaphore(%arg37 : memref<!tpu.dma_semaphore, #tpu.memory_space<semaphore_mem>>)
    %dma_wait3A_83 = arith.constant 0 : i32
    %dma_wait3A_84 = tpu.memref_slice %arg2[%dma_wait3A_83, %mul3A_20] : memref<2x320000xi32, #tpu.memory_space<hbm>> -> memref<2x128xi32, #tpu.memory_space<hbm>>
    %dma_wait3A_85 = arith.constant 0 : i32
    %dma_wait3A_86 = tpu.memref_slice %arg2[%dma_wait3A_85, %mul3A_20] : memref<2x320000xi32, #tpu.memory_space<hbm>> -> memref<2x128xi32, #tpu.memory_space<hbm>>
    tpu.wait_dma2 semaphore(%arg28 : memref<!tpu.dma_semaphore, #tpu.memory_space<semaphore_mem>>) src(%dma_wait3A_86 : memref<2x128xi32, #tpu.memory_space<hbm>>) dst(%arg7 : memref<2x128xi32, #tpu.memory_space<vmem>>)
    %dma_start3A_87 = arith.constant 0 : i32
    %dma_start3A_88 = arith.constant 0 : i32
    %dma_start3A_89 = tpu.memref_slice %arg7[%dma_start3A_87, %dma_start3A_88] : memref<2x128xi32, #tpu.memory_space<vmem>> -> memref<1x128xi32, #tpu.memory_space<vmem>>
    %dma_start3A_90 = tpu.memref_squeeze %dma_start3A_89 : memref<1x128xi32, #tpu.memory_space<vmem>> -> memref<128xi32, #tpu.memory_space<vmem>>
    %dma_start3A_91 = arith.constant 0 : i32
    %dma_start3A_92 = arith.constant 0 : i32
    %dma_start3A_93 = tpu.memref_slice %arg3[%dma_start3A_91, %dma_start3A_92] : memref<10000x128xbf16, #tpu.memory_space<hbm>> -> memref<10000x128xbf16, #tpu.memory_space<hbm>>
    tpu.enqueue_indirect_dma source(%dma_start3A_93 : memref<10000x128xbf16, #tpu.memory_space<hbm>>) target(%arg17 : memref<128x128xbf16, #tpu.memory_space<vmem>>) offsets(%dma_start3A_90 : memref<128xi32, #tpu.memory_space<vmem>>) semaphore(%arg38 : memref<!tpu.dma_semaphore, #tpu.memory_space<semaphore_mem>>)
    %dma_wait3A_94 = arith.constant 0 : i32
    %dma_wait3A_95 = tpu.memref_slice %arg2[%dma_wait3A_94, %mul3A_28] : memref<2x320000xi32, #tpu.memory_space<hbm>> -> memref<2x128xi32, #tpu.memory_space<hbm>>
    %dma_wait3A_96 = arith.constant 0 : i32
    %dma_wait3A_97 = tpu.memref_slice %arg2[%dma_wait3A_96, %mul3A_28] : memref<2x320000xi32, #tpu.memory_space<hbm>> -> memref<2x128xi32, #tpu.memory_space<hbm>>
    tpu.wait_dma2 semaphore(%arg29 : memref<!tpu.dma_semaphore, #tpu.memory_space<semaphore_mem>>) src(%dma_wait3A_97 : memref<2x128xi32, #tpu.memory_space<hbm>>) dst(%arg8 : memref<2x128xi32, #tpu.memory_space<vmem>>)
    %dma_start3A_98 = arith.constant 0 : i32
    %dma_start3A_99 = arith.constant 0 : i32
    %dma_start3A_100 = tpu.memref_slice %arg8[%dma_start3A_98, %dma_start3A_99] : memref<2x128xi32, #tpu.memory_space<vmem>> -> memref<1x128xi32, #tpu.memory_space<vmem>>
    %dma_start3A_101 = tpu.memref_squeeze %dma_start3A_100 : memref<1x128xi32, #tpu.memory_space<vmem>> -> memref<128xi32, #tpu.memory_space<vmem>>
    %dma_start3A_102 = arith.constant 0 : i32
    %dma_start3A_103 = arith.constant 0 : i32
    %dma_start3A_104 = tpu.memref_slice %arg3[%dma_start3A_102, %dma_start3A_103] : memref<10000x128xbf16, #tpu.memory_space<hbm>> -> memref<10000x128xbf16, #tpu.memory_space<hbm>>
    tpu.enqueue_indirect_dma source(%dma_start3A_104 : memref<10000x128xbf16, #tpu.memory_space<hbm>>) target(%arg18 : memref<128x128xbf16, #tpu.memory_space<vmem>>) offsets(%dma_start3A_101 : memref<128xi32, #tpu.memory_space<vmem>>) semaphore(%arg39 : memref<!tpu.dma_semaphore, #tpu.memory_space<semaphore_mem>>)
    %dma_wait3A_105 = arith.constant 0 : i32
    %dma_wait3A_106 = tpu.memref_slice %arg2[%dma_wait3A_105, %mul3A_36] : memref<2x320000xi32, #tpu.memory_space<hbm>> -> memref<2x128xi32, #tpu.memory_space<hbm>>
    %dma_wait3A_107 = arith.constant 0 : i32
    %dma_wait3A_108 = tpu.memref_slice %arg2[%dma_wait3A_107, %mul3A_36] : memref<2x320000xi32, #tpu.memory_space<hbm>> -> memref<2x128xi32, #tpu.memory_space<hbm>>
    tpu.wait_dma2 semaphore(%arg30 : memref<!tpu.dma_semaphore, #tpu.memory_space<semaphore_mem>>) src(%dma_wait3A_108 : memref<2x128xi32, #tpu.memory_space<hbm>>) dst(%arg9 : memref<2x128xi32, #tpu.memory_space<vmem>>)
    %dma_start3A_109 = arith.constant 0 : i32
    %dma_start3A_110 = arith.constant 0 : i32
    %dma_start3A_111 = tpu.memref_slice %arg9[%dma_start3A_109, %dma_start3A_110] : memref<2x128xi32, #tpu.memory_space<vmem>> -> memref<1x128xi32, #tpu.memory_space<vmem>>
    %dma_start3A_112 = tpu.memref_squeeze %dma_start3A_111 : memref<1x128xi32, #tpu.memory_space<vmem>> -> memref<128xi32, #tpu.memory_space<vmem>>
    %dma_start3A_113 = arith.constant 0 : i32
    %dma_start3A_114 = arith.constant 0 : i32
    %dma_start3A_115 = tpu.memref_slice %arg3[%dma_start3A_113, %dma_start3A_114] : memref<10000x128xbf16, #tpu.memory_space<hbm>> -> memref<10000x128xbf16, #tpu.memory_space<hbm>>
    tpu.enqueue_indirect_dma source(%dma_start3A_115 : memref<10000x128xbf16, #tpu.memory_space<hbm>>) target(%arg19 : memref<128x128xbf16, #tpu.memory_space<vmem>>) offsets(%dma_start3A_112 : memref<128xi32, #tpu.memory_space<vmem>>) semaphore(%arg40 : memref<!tpu.dma_semaphore, #tpu.memory_space<semaphore_mem>>)
    %dma_wait3A_116 = arith.constant 0 : i32
    %dma_wait3A_117 = tpu.memref_slice %arg2[%dma_wait3A_116, %mul3A_44] : memref<2x320000xi32, #tpu.memory_space<hbm>> -> memref<2x128xi32, #tpu.memory_space<hbm>>
    %dma_wait3A_118 = arith.constant 0 : i32
    %dma_wait3A_119 = tpu.memref_slice %arg2[%dma_wait3A_118, %mul3A_44] : memref<2x320000xi32, #tpu.memory_space<hbm>> -> memref<2x128xi32, #tpu.memory_space<hbm>>
    tpu.wait_dma2 semaphore(%arg31 : memref<!tpu.dma_semaphore, #tpu.memory_space<semaphore_mem>>) src(%dma_wait3A_119 : memref<2x128xi32, #tpu.memory_space<hbm>>) dst(%arg10 : memref<2x128xi32, #tpu.memory_space<vmem>>)
    %dma_start3A_120 = arith.constant 0 : i32
    %dma_start3A_121 = arith.constant 0 : i32
    %dma_start3A_122 = tpu.memref_slice %arg10[%dma_start3A_120, %dma_start3A_121] : memref<2x128xi32, #tpu.memory_space<vmem>> -> memref<1x128xi32, #tpu.memory_space<vmem>>
    %dma_start3A_123 = tpu.memref_squeeze %dma_start3A_122 : memref<1x128xi32, #tpu.memory_space<vmem>> -> memref<128xi32, #tpu.memory_space<vmem>>
    %dma_start3A_124 = arith.constant 0 : i32
    %dma_start3A_125 = arith.constant 0 : i32
    %dma_start3A_126 = tpu.memref_slice %arg3[%dma_start3A_124, %dma_start3A_125] : memref<10000x128xbf16, #tpu.memory_space<hbm>> -> memref<10000x128xbf16, #tpu.memory_space<hbm>>
    tpu.enqueue_indirect_dma source(%dma_start3A_126 : memref<10000x128xbf16, #tpu.memory_space<hbm>>) target(%arg20 : memref<128x128xbf16, #tpu.memory_space<vmem>>) offsets(%dma_start3A_123 : memref<128xi32, #tpu.memory_space<vmem>>) semaphore(%arg41 : memref<!tpu.dma_semaphore, #tpu.memory_space<semaphore_mem>>)
    %dma_wait3A_127 = arith.constant 0 : i32
    %dma_wait3A_128 = tpu.memref_slice %arg2[%dma_wait3A_127, %mul3A_52] : memref<2x320000xi32, #tpu.memory_space<hbm>> -> memref<2x128xi32, #tpu.memory_space<hbm>>
    %dma_wait3A_129 = arith.constant 0 : i32
    %dma_wait3A_130 = tpu.memref_slice %arg2[%dma_wait3A_129, %mul3A_52] : memref<2x320000xi32, #tpu.memory_space<hbm>> -> memref<2x128xi32, #tpu.memory_space<hbm>>
    tpu.wait_dma2 semaphore(%arg32 : memref<!tpu.dma_semaphore, #tpu.memory_space<semaphore_mem>>) src(%dma_wait3A_130 : memref<2x128xi32, #tpu.memory_space<hbm>>) dst(%arg11 : memref<2x128xi32, #tpu.memory_space<vmem>>)
    %dma_start3A_131 = arith.constant 0 : i32
    %dma_start3A_132 = arith.constant 0 : i32
    %dma_start3A_133 = tpu.memref_slice %arg11[%dma_start3A_131, %dma_start3A_132] : memref<2x128xi32, #tpu.memory_space<vmem>> -> memref<1x128xi32, #tpu.memory_space<vmem>>
    %dma_start3A_134 = tpu.memref_squeeze %dma_start3A_133 : memref<1x128xi32, #tpu.memory_space<vmem>> -> memref<128xi32, #tpu.memory_space<vmem>>
    %dma_start3A_135 = arith.constant 0 : i32
    %dma_start3A_136 = arith.constant 0 : i32
    %dma_start3A_137 = tpu.memref_slice %arg3[%dma_start3A_135, %dma_start3A_136] : memref<10000x128xbf16, #tpu.memory_space<hbm>> -> memref<10000x128xbf16, #tpu.memory_space<hbm>>
    tpu.enqueue_indirect_dma source(%dma_start3A_137 : memref<10000x128xbf16, #tpu.memory_space<hbm>>) target(%arg21 : memref<128x128xbf16, #tpu.memory_space<vmem>>) offsets(%dma_start3A_134 : memref<128xi32, #tpu.memory_space<vmem>>) semaphore(%arg42 : memref<!tpu.dma_semaphore, #tpu.memory_space<semaphore_mem>>)
    %dma_wait3A_138 = arith.constant 0 : i32
    %dma_wait3A_139 = tpu.memref_slice %arg2[%dma_wait3A_138, %mul3A_60] : memref<2x320000xi32, #tpu.memory_space<hbm>> -> memref<2x128xi32, #tpu.memory_space<hbm>>
    %dma_wait3A_140 = arith.constant 0 : i32
    %dma_wait3A_141 = tpu.memref_slice %arg2[%dma_wait3A_140, %mul3A_60] : memref<2x320000xi32, #tpu.memory_space<hbm>> -> memref<2x128xi32, #tpu.memory_space<hbm>>
    tpu.wait_dma2 semaphore(%arg33 : memref<!tpu.dma_semaphore, #tpu.memory_space<semaphore_mem>>) src(%dma_wait3A_141 : memref<2x128xi32, #tpu.memory_space<hbm>>) dst(%arg12 : memref<2x128xi32, #tpu.memory_space<vmem>>)
    %dma_start3A_142 = arith.constant 0 : i32
    %dma_start3A_143 = arith.constant 0 : i32
    %dma_start3A_144 = tpu.memref_slice %arg12[%dma_start3A_142, %dma_start3A_143] : memref<2x128xi32, #tpu.memory_space<vmem>> -> memref<1x128xi32, #tpu.memory_space<vmem>>
    %dma_start3A_145 = tpu.memref_squeeze %dma_start3A_144 : memref<1x128xi32, #tpu.memory_space<vmem>> -> memref<128xi32, #tpu.memory_space<vmem>>
    %dma_start3A_146 = arith.constant 0 : i32
    %dma_start3A_147 = arith.constant 0 : i32
    %dma_start3A_148 = tpu.memref_slice %arg3[%dma_start3A_146, %dma_start3A_147] : memref<10000x128xbf16, #tpu.memory_space<hbm>> -> memref<10000x128xbf16, #tpu.memory_space<hbm>>
    tpu.enqueue_indirect_dma source(%dma_start3A_148 : memref<10000x128xbf16, #tpu.memory_space<hbm>>) target(%arg22 : memref<128x128xbf16, #tpu.memory_space<vmem>>) offsets(%dma_start3A_145 : memref<128xi32, #tpu.memory_space<vmem>>) semaphore(%arg43 : memref<!tpu.dma_semaphore, #tpu.memory_space<semaphore_mem>>)
    %dma_wait3A_149 = arith.constant 0 : i32
    %dma_wait3A_150 = tpu.memref_slice %arg2[%dma_wait3A_149, %mul3A_68] : memref<2x320000xi32, #tpu.memory_space<hbm>> -> memref<2x128xi32, #tpu.memory_space<hbm>>
    %dma_wait3A_151 = arith.constant 0 : i32
    %dma_wait3A_152 = tpu.memref_slice %arg2[%dma_wait3A_151, %mul3A_68] : memref<2x320000xi32, #tpu.memory_space<hbm>> -> memref<2x128xi32, #tpu.memory_space<hbm>>
    tpu.wait_dma2 semaphore(%arg34 : memref<!tpu.dma_semaphore, #tpu.memory_space<semaphore_mem>>) src(%dma_wait3A_152 : memref<2x128xi32, #tpu.memory_space<hbm>>) dst(%arg13 : memref<2x128xi32, #tpu.memory_space<vmem>>)
    %dma_start3A_153 = arith.constant 0 : i32
    %dma_start3A_154 = arith.constant 0 : i32
    %dma_start3A_155 = tpu.memref_slice %arg13[%dma_start3A_153, %dma_start3A_154] : memref<2x128xi32, #tpu.memory_space<vmem>> -> memref<1x128xi32, #tpu.memory_space<vmem>>
    %dma_start3A_156 = tpu.memref_squeeze %dma_start3A_155 : memref<1x128xi32, #tpu.memory_space<vmem>> -> memref<128xi32, #tpu.memory_space<vmem>>
    %dma_start3A_157 = arith.constant 0 : i32
    %dma_start3A_158 = arith.constant 0 : i32
    %dma_start3A_159 = tpu.memref_slice %arg3[%dma_start3A_157, %dma_start3A_158] : memref<10000x128xbf16, #tpu.memory_space<hbm>> -> memref<10000x128xbf16, #tpu.memory_space<hbm>>
    tpu.enqueue_indirect_dma source(%dma_start3A_159 : memref<10000x128xbf16, #tpu.memory_space<hbm>>) target(%arg23 : memref<128x128xbf16, #tpu.memory_space<vmem>>) offsets(%dma_start3A_156 : memref<128xi32, #tpu.memory_space<vmem>>) semaphore(%arg44 : memref<!tpu.dma_semaphore, #tpu.memory_space<semaphore_mem>>)
    %dma_wait3A_160 = arith.constant 0 : i32
    %dma_wait3A_161 = arith.constant 0 : i32
    %dma_wait3A_162 = tpu.memref_slice %arg6[%dma_wait3A_160, %dma_wait3A_161] : memref<2x128xi32, #tpu.memory_space<vmem>> -> memref<1x128xi32, #tpu.memory_space<vmem>>
    %dma_wait3A_163 = tpu.memref_squeeze %dma_wait3A_162 : memref<1x128xi32, #tpu.memory_space<vmem>> -> memref<128xi32, #tpu.memory_space<vmem>>
    %dma_wait3A_164 = arith.constant 0 : i32
    %dma_wait3A_165 = arith.constant 0 : i32
    %dma_wait3A_166 = tpu.memref_slice %arg3[%dma_wait3A_164, %dma_wait3A_165] : memref<10000x128xbf16, #tpu.memory_space<hbm>> -> memref<10000x128xbf16, #tpu.memory_space<hbm>>
    tpu.wait_indirect_dma semaphore(%arg37 : memref<!tpu.dma_semaphore, #tpu.memory_space<semaphore_mem>>) src(%dma_wait3A_166 : memref<10000x128xbf16, #tpu.memory_space<hbm>>) dst(%arg16 : memref<128x128xbf16, #tpu.memory_space<vmem>>)
    %dma_start3A_167 = arith.constant 1 : i32
    %dma_start3A_168 = arith.constant 0 : i32
    %dma_start3A_169 = tpu.memref_slice %arg6[%dma_start3A_167, %dma_start3A_168] : memref<2x128xi32, #tpu.memory_space<vmem>> -> memref<1x128xi32, #tpu.memory_space<vmem>>
    %dma_start3A_170 = tpu.memref_squeeze %dma_start3A_169 : memref<1x128xi32, #tpu.memory_space<vmem>> -> memref<128xi32, #tpu.memory_space<vmem>>
    %dma_start3A_171 = arith.constant 0 : i32
    %dma_start3A_172 = arith.constant 0 : i32
    %dma_start3A_173 = tpu.memref_slice %arg26[%dma_start3A_171, %dma_start3A_172] : memref<10112x128xbf16, #tpu.memory_space<vmem_shared>> -> memref<10112x128xbf16, #tpu.memory_space<vmem_shared>>
    tpu.enqueue_indirect_dma source(%arg16 : memref<128x128xbf16, #tpu.memory_space<vmem>>) target(%dma_start3A_173 : memref<10112x128xbf16, #tpu.memory_space<vmem_shared>>) offsets(%dma_start3A_170 : memref<128xi32, #tpu.memory_space<vmem>>) semaphore(%arg47 : memref<!tpu.dma_semaphore, #tpu.memory_space<semaphore_mem>>) {add = true}
    %dma_wait3A_174 = arith.constant 0 : i32
    %dma_wait3A_175 = arith.constant 0 : i32
    %dma_wait3A_176 = tpu.memref_slice %arg7[%dma_wait3A_174, %dma_wait3A_175] : memref<2x128xi32, #tpu.memory_space<vmem>> -> memref<1x128xi32, #tpu.memory_space<vmem>>
    %dma_wait3A_177 = tpu.memref_squeeze %dma_wait3A_176 : memref<1x128xi32, #tpu.memory_space<vmem>> -> memref<128xi32, #tpu.memory_space<vmem>>
    %dma_wait3A_178 = arith.constant 0 : i32
    %dma_wait3A_179 = arith.constant 0 : i32
    %dma_wait3A_180 = tpu.memref_slice %arg3[%dma_wait3A_178, %dma_wait3A_179] : memref<10000x128xbf16, #tpu.memory_space<hbm>> -> memref<10000x128xbf16, #tpu.memory_space<hbm>>
    tpu.wait_indirect_dma semaphore(%arg38 : memref<!tpu.dma_semaphore, #tpu.memory_space<semaphore_mem>>) src(%dma_wait3A_180 : memref<10000x128xbf16, #tpu.memory_space<hbm>>) dst(%arg17 : memref<128x128xbf16, #tpu.memory_space<vmem>>)
    %dma_start3A_181 = arith.constant 1 : i32
    %dma_start3A_182 = arith.constant 0 : i32
    %dma_start3A_183 = tpu.memref_slice %arg7[%dma_start3A_181, %dma_start3A_182] : memref<2x128xi32, #tpu.memory_space<vmem>> -> memref<1x128xi32, #tpu.memory_space<vmem>>
    %dma_start3A_184 = tpu.memref_squeeze %dma_start3A_183 : memref<1x128xi32, #tpu.memory_space<vmem>> -> memref<128xi32, #tpu.memory_space<vmem>>
    %dma_start3A_185 = arith.constant 0 : i32
    %dma_start3A_186 = arith.constant 0 : i32
    %dma_start3A_187 = tpu.memref_slice %arg26[%dma_start3A_185, %dma_start3A_186] : memref<10112x128xbf16, #tpu.memory_space<vmem_shared>> -> memref<10112x128xbf16, #tpu.memory_space<vmem_shared>>
    tpu.enqueue_indirect_dma source(%arg17 : memref<128x128xbf16, #tpu.memory_space<vmem>>) target(%dma_start3A_187 : memref<10112x128xbf16, #tpu.memory_space<vmem_shared>>) offsets(%dma_start3A_184 : memref<128xi32, #tpu.memory_space<vmem>>) semaphore(%arg48 : memref<!tpu.dma_semaphore, #tpu.memory_space<semaphore_mem>>) {add = true}
    %dma_wait3A_188 = arith.constant 0 : i32
    %dma_wait3A_189 = arith.constant 0 : i32
    %dma_wait3A_190 = tpu.memref_slice %arg8[%dma_wait3A_188, %dma_wait3A_189] : memref<2x128xi32, #tpu.memory_space<vmem>> -> memref<1x128xi32, #tpu.memory_space<vmem>>
    %dma_wait3A_191 = tpu.memref_squeeze %dma_wait3A_190 : memref<1x128xi32, #tpu.memory_space<vmem>> -> memref<128xi32, #tpu.memory_space<vmem>>
    %dma_wait3A_192 = arith.constant 0 : i32
    %dma_wait3A_193 = arith.constant 0 : i32
    %dma_wait3A_194 = tpu.memref_slice %arg3[%dma_wait3A_192, %dma_wait3A_193] : memref<10000x128xbf16, #tpu.memory_space<hbm>> -> memref<10000x128xbf16, #tpu.memory_space<hbm>>
    tpu.wait_indirect_dma semaphore(%arg39 : memref<!tpu.dma_semaphore, #tpu.memory_space<semaphore_mem>>) src(%dma_wait3A_194 : memref<10000x128xbf16, #tpu.memory_space<hbm>>) dst(%arg18 : memref<128x128xbf16, #tpu.memory_space<vmem>>)
    %dma_start3A_195 = arith.constant 1 : i32
    %dma_start3A_196 = arith.constant 0 : i32
    %dma_start3A_197 = tpu.memref_slice %arg8[%dma_start3A_195, %dma_start3A_196] : memref<2x128xi32, #tpu.memory_space<vmem>> -> memref<1x128xi32, #tpu.memory_space<vmem>>
    %dma_start3A_198 = tpu.memref_squeeze %dma_start3A_197 : memref<1x128xi32, #tpu.memory_space<vmem>> -> memref<128xi32, #tpu.memory_space<vmem>>
    %dma_start3A_199 = arith.constant 0 : i32
    %dma_start3A_200 = arith.constant 0 : i32
    %dma_start3A_201 = tpu.memref_slice %arg26[%dma_start3A_199, %dma_start3A_200] : memref<10112x128xbf16, #tpu.memory_space<vmem_shared>> -> memref<10112x128xbf16, #tpu.memory_space<vmem_shared>>
    tpu.enqueue_indirect_dma source(%arg18 : memref<128x128xbf16, #tpu.memory_space<vmem>>) target(%dma_start3A_201 : memref<10112x128xbf16, #tpu.memory_space<vmem_shared>>) offsets(%dma_start3A_198 : memref<128xi32, #tpu.memory_space<vmem>>) semaphore(%arg49 : memref<!tpu.dma_semaphore, #tpu.memory_space<semaphore_mem>>) {add = true}
    %dma_wait3A_202 = arith.constant 0 : i32
    %dma_wait3A_203 = arith.constant 0 : i32
    %dma_wait3A_204 = tpu.memref_slice %arg9[%dma_wait3A_202, %dma_wait3A_203] : memref<2x128xi32, #tpu.memory_space<vmem>> -> memref<1x128xi32, #tpu.memory_space<vmem>>
    %dma_wait3A_205 = tpu.memref_squeeze %dma_wait3A_204 : memref<1x128xi32, #tpu.memory_space<vmem>> -> memref<128xi32, #tpu.memory_space<vmem>>
    %dma_wait3A_206 = arith.constant 0 : i32
    %dma_wait3A_207 = arith.constant 0 : i32
    %dma_wait3A_208 = tpu.memref_slice %arg3[%dma_wait3A_206, %dma_wait3A_207] : memref<10000x128xbf16, #tpu.memory_space<hbm>> -> memref<10000x128xbf16, #tpu.memory_space<hbm>>
    tpu.wait_indirect_dma semaphore(%arg40 : memref<!tpu.dma_semaphore, #tpu.memory_space<semaphore_mem>>) src(%dma_wait3A_208 : memref<10000x128xbf16, #tpu.memory_space<hbm>>) dst(%arg19 : memref<128x128xbf16, #tpu.memory_space<vmem>>)
    %dma_start3A_209 = arith.constant 1 : i32
    %dma_start3A_210 = arith.constant 0 : i32
    %dma_start3A_211 = tpu.memref_slice %arg9[%dma_start3A_209, %dma_start3A_210] : memref<2x128xi32, #tpu.memory_space<vmem>> -> memref<1x128xi32, #tpu.memory_space<vmem>>
    %dma_start3A_212 = tpu.memref_squeeze %dma_start3A_211 : memref<1x128xi32, #tpu.memory_space<vmem>> -> memref<128xi32, #tpu.memory_space<vmem>>
    %dma_start3A_213 = arith.constant 0 : i32
    %dma_start3A_214 = arith.constant 0 : i32
    %dma_start3A_215 = tpu.memref_slice %arg26[%dma_start3A_213, %dma_start3A_214] : memref<10112x128xbf16, #tpu.memory_space<vmem_shared>> -> memref<10112x128xbf16, #tpu.memory_space<vmem_shared>>
    tpu.enqueue_indirect_dma source(%arg19 : memref<128x128xbf16, #tpu.memory_space<vmem>>) target(%dma_start3A_215 : memref<10112x128xbf16, #tpu.memory_space<vmem_shared>>) offsets(%dma_start3A_212 : memref<128xi32, #tpu.memory_space<vmem>>) semaphore(%arg50 : memref<!tpu.dma_semaphore, #tpu.memory_space<semaphore_mem>>) {add = true}
    %dma_wait3A_216 = arith.constant 0 : i32
    %dma_wait3A_217 = arith.constant 0 : i32
    %dma_wait3A_218 = tpu.memref_slice %arg10[%dma_wait3A_216, %dma_wait3A_217] : memref<2x128xi32, #tpu.memory_space<vmem>> -> memref<1x128xi32, #tpu.memory_space<vmem>>
    %dma_wait3A_219 = tpu.memref_squeeze %dma_wait3A_218 : memref<1x128xi32, #tpu.memory_space<vmem>> -> memref<128xi32, #tpu.memory_space<vmem>>
    %dma_wait3A_220 = arith.constant 0 : i32
    %dma_wait3A_221 = arith.constant 0 : i32
    %dma_wait3A_222 = tpu.memref_slice %arg3[%dma_wait3A_220, %dma_wait3A_221] : memref<10000x128xbf16, #tpu.memory_space<hbm>> -> memref<10000x128xbf16, #tpu.memory_space<hbm>>
    tpu.wait_indirect_dma semaphore(%arg41 : memref<!tpu.dma_semaphore, #tpu.memory_space<semaphore_mem>>) src(%dma_wait3A_222 : memref<10000x128xbf16, #tpu.memory_space<hbm>>) dst(%arg20 : memref<128x128xbf16, #tpu.memory_space<vmem>>)
    %dma_start3A_223 = arith.constant 1 : i32
    %dma_start3A_224 = arith.constant 0 : i32
    %dma_start3A_225 = tpu.memref_slice %arg10[%dma_start3A_223, %dma_start3A_224] : memref<2x128xi32, #tpu.memory_space<vmem>> -> memref<1x128xi32, #tpu.memory_space<vmem>>
    %dma_start3A_226 = tpu.memref_squeeze %dma_start3A_225 : memref<1x128xi32, #tpu.memory_space<vmem>> -> memref<128xi32, #tpu.memory_space<vmem>>
    %dma_start3A_227 = arith.constant 0 : i32
    %dma_start3A_228 = arith.constant 0 : i32
    %dma_start3A_229 = tpu.memref_slice %arg26[%dma_start3A_227, %dma_start3A_228] : memref<10112x128xbf16, #tpu.memory_space<vmem_shared>> -> memref<10112x128xbf16, #tpu.memory_space<vmem_shared>>
    tpu.enqueue_indirect_dma source(%arg20 : memref<128x128xbf16, #tpu.memory_space<vmem>>) target(%dma_start3A_229 : memref<10112x128xbf16, #tpu.memory_space<vmem_shared>>) offsets(%dma_start3A_226 : memref<128xi32, #tpu.memory_space<vmem>>) semaphore(%arg51 : memref<!tpu.dma_semaphore, #tpu.memory_space<semaphore_mem>>) {add = true}
    %dma_wait3A_230 = arith.constant 0 : i32
    %dma_wait3A_231 = arith.constant 0 : i32
    %dma_wait3A_232 = tpu.memref_slice %arg11[%dma_wait3A_230, %dma_wait3A_231] : memref<2x128xi32, #tpu.memory_space<vmem>> -> memref<1x128xi32, #tpu.memory_space<vmem>>
    %dma_wait3A_233 = tpu.memref_squeeze %dma_wait3A_232 : memref<1x128xi32, #tpu.memory_space<vmem>> -> memref<128xi32, #tpu.memory_space<vmem>>
    %dma_wait3A_234 = arith.constant 0 : i32
    %dma_wait3A_235 = arith.constant 0 : i32
    %dma_wait3A_236 = tpu.memref_slice %arg3[%dma_wait3A_234, %dma_wait3A_235] : memref<10000x128xbf16, #tpu.memory_space<hbm>> -> memref<10000x128xbf16, #tpu.memory_space<hbm>>
    tpu.wait_indirect_dma semaphore(%arg42 : memref<!tpu.dma_semaphore, #tpu.memory_space<semaphore_mem>>) src(%dma_wait3A_236 : memref<10000x128xbf16, #tpu.memory_space<hbm>>) dst(%arg21 : memref<128x128xbf16, #tpu.memory_space<vmem>>)
    %dma_start3A_237 = arith.constant 1 : i32
    %dma_start3A_238 = arith.constant 0 : i32
    %dma_start3A_239 = tpu.memref_slice %arg11[%dma_start3A_237, %dma_start3A_238] : memref<2x128xi32, #tpu.memory_space<vmem>> -> memref<1x128xi32, #tpu.memory_space<vmem>>
    %dma_start3A_240 = tpu.memref_squeeze %dma_start3A_239 : memref<1x128xi32, #tpu.memory_space<vmem>> -> memref<128xi32, #tpu.memory_space<vmem>>
    %dma_start3A_241 = arith.constant 0 : i32
    %dma_start3A_242 = arith.constant 0 : i32
    %dma_start3A_243 = tpu.memref_slice %arg26[%dma_start3A_241, %dma_start3A_242] : memref<10112x128xbf16, #tpu.memory_space<vmem_shared>> -> memref<10112x128xbf16, #tpu.memory_space<vmem_shared>>
    tpu.enqueue_indirect_dma source(%arg21 : memref<128x128xbf16, #tpu.memory_space<vmem>>) target(%dma_start3A_243 : memref<10112x128xbf16, #tpu.memory_space<vmem_shared>>) offsets(%dma_start3A_240 : memref<128xi32, #tpu.memory_space<vmem>>) semaphore(%arg52 : memref<!tpu.dma_semaphore, #tpu.memory_space<semaphore_mem>>) {add = true}
    %dma_wait3A_244 = arith.constant 0 : i32
    %dma_wait3A_245 = arith.constant 0 : i32
    %dma_wait3A_246 = tpu.memref_slice %arg12[%dma_wait3A_244, %dma_wait3A_245] : memref<2x128xi32, #tpu.memory_space<vmem>> -> memref<1x128xi32, #tpu.memory_space<vmem>>
    %dma_wait3A_247 = tpu.memref_squeeze %dma_wait3A_246 : memref<1x128xi32, #tpu.memory_space<vmem>> -> memref<128xi32, #tpu.memory_space<vmem>>
    %dma_wait3A_248 = arith.constant 0 : i32
    %dma_wait3A_249 = arith.constant 0 : i32
    %dma_wait3A_250 = tpu.memref_slice %arg3[%dma_wait3A_248, %dma_wait3A_249] : memref<10000x128xbf16, #tpu.memory_space<hbm>> -> memref<10000x128xbf16, #tpu.memory_space<hbm>>
    tpu.wait_indirect_dma semaphore(%arg43 : memref<!tpu.dma_semaphore, #tpu.memory_space<semaphore_mem>>) src(%dma_wait3A_250 : memref<10000x128xbf16, #tpu.memory_space<hbm>>) dst(%arg22 : memref<128x128xbf16, #tpu.memory_space<vmem>>)
    %dma_start3A_251 = arith.constant 1 : i32
    %dma_start3A_252 = arith.constant 0 : i32
    %dma_start3A_253 = tpu.memref_slice %arg12[%dma_start3A_251, %dma_start3A_252] : memref<2x128xi32, #tpu.memory_space<vmem>> -> memref<1x128xi32, #tpu.memory_space<vmem>>
    %dma_start3A_254 = tpu.memref_squeeze %dma_start3A_253 : memref<1x128xi32, #tpu.memory_space<vmem>> -> memref<128xi32, #tpu.memory_space<vmem>>
    %dma_start3A_255 = arith.constant 0 : i32
    %dma_start3A_256 = arith.constant 0 : i32
    %dma_start3A_257 = tpu.memref_slice %arg26[%dma_start3A_255, %dma_start3A_256] : memref<10112x128xbf16, #tpu.memory_space<vmem_shared>> -> memref<10112x128xbf16, #tpu.memory_space<vmem_shared>>
    tpu.enqueue_indirect_dma source(%arg22 : memref<128x128xbf16, #tpu.memory_space<vmem>>) target(%dma_start3A_257 : memref<10112x128xbf16, #tpu.memory_space<vmem_shared>>) offsets(%dma_start3A_254 : memref<128xi32, #tpu.memory_space<vmem>>) semaphore(%arg53 : memref<!tpu.dma_semaphore, #tpu.memory_space<semaphore_mem>>) {add = true}
    %dma_wait3A_258 = arith.constant 0 : i32
    %dma_wait3A_259 = arith.constant 0 : i32
    %dma_wait3A_260 = tpu.memref_slice %arg13[%dma_wait3A_258, %dma_wait3A_259] : memref<2x128xi32, #tpu.memory_space<vmem>> -> memref<1x128xi32, #tpu.memory_space<vmem>>
    %dma_wait3A_261 = tpu.memref_squeeze %dma_wait3A_260 : memref<1x128xi32, #tpu.memory_space<vmem>> -> memref<128xi32, #tpu.memory_space<vmem>>
    %dma_wait3A_262 = arith.constant 0 : i32
    %dma_wait3A_263 = arith.constant 0 : i32
    %dma_wait3A_264 = tpu.memref_slice %arg3[%dma_wait3A_262, %dma_wait3A_263] : memref<10000x128xbf16, #tpu.memory_space<hbm>> -> memref<10000x128xbf16, #tpu.memory_space<hbm>>
    tpu.wait_indirect_dma semaphore(%arg44 : memref<!tpu.dma_semaphore, #tpu.memory_space<semaphore_mem>>) src(%dma_wait3A_264 : memref<10000x128xbf16, #tpu.memory_space<hbm>>) dst(%arg23 : memref<128x128xbf16, #tpu.memory_space<vmem>>)
    %dma_start3A_265 = arith.constant 1 : i32
    %dma_start3A_266 = arith.constant 0 : i32
    %dma_start3A_267 = tpu.memref_slice %arg13[%dma_start3A_265, %dma_start3A_266] : memref<2x128xi32, #tpu.memory_space<vmem>> -> memref<1x128xi32, #tpu.memory_space<vmem>>
    %dma_start3A_268 = tpu.memref_squeeze %dma_start3A_267 : memref<1x128xi32, #tpu.memory_space<vmem>> -> memref<128xi32, #tpu.memory_space<vmem>>
    %dma_start3A_269 = arith.constant 0 : i32
    %dma_start3A_270 = arith.constant 0 : i32
    %dma_start3A_271 = tpu.memref_slice %arg26[%dma_start3A_269, %dma_start3A_270] : memref<10112x128xbf16, #tpu.memory_space<vmem_shared>> -> memref<10112x128xbf16, #tpu.memory_space<vmem_shared>>
    tpu.enqueue_indirect_dma source(%arg23 : memref<128x128xbf16, #tpu.memory_space<vmem>>) target(%dma_start3A_271 : memref<10112x128xbf16, #tpu.memory_space<vmem_shared>>) offsets(%dma_start3A_268 : memref<128xi32, #tpu.memory_space<vmem>>) semaphore(%arg54 : memref<!tpu.dma_semaphore, #tpu.memory_space<semaphore_mem>>) {add = true}
    %dma_wait3A_272 = arith.constant 1 : i32
    %dma_wait3A_273 = arith.constant 0 : i32
    %dma_wait3A_274 = tpu.memref_slice %arg6[%dma_wait3A_272, %dma_wait3A_273] : memref<2x128xi32, #tpu.memory_space<vmem>> -> memref<1x128xi32, #tpu.memory_space<vmem>>
    %dma_wait3A_275 = tpu.memref_squeeze %dma_wait3A_274 : memref<1x128xi32, #tpu.memory_space<vmem>> -> memref<128xi32, #tpu.memory_space<vmem>>
    %dma_wait3A_276 = arith.constant 0 : i32
    %dma_wait3A_277 = arith.constant 0 : i32
    %dma_wait3A_278 = tpu.memref_slice %arg26[%dma_wait3A_276, %dma_wait3A_277] : memref<10112x128xbf16, #tpu.memory_space<vmem_shared>> -> memref<10112x128xbf16, #tpu.memory_space<vmem_shared>>
    tpu.wait_indirect_dma semaphore(%arg47 : memref<!tpu.dma_semaphore, #tpu.memory_space<semaphore_mem>>) src(%arg16 : memref<128x128xbf16, #tpu.memory_space<vmem>>) dst(%dma_wait3A_278 : memref<10112x128xbf16, #tpu.memory_space<vmem_shared>>)
    %dma_wait3A_279 = arith.constant 1 : i32
    %dma_wait3A_280 = arith.constant 0 : i32
    %dma_wait3A_281 = tpu.memref_slice %arg7[%dma_wait3A_279, %dma_wait3A_280] : memref<2x128xi32, #tpu.memory_space<vmem>> -> memref<1x128xi32, #tpu.memory_space<vmem>>
    %dma_wait3A_282 = tpu.memref_squeeze %dma_wait3A_281 : memref<1x128xi32, #tpu.memory_space<vmem>> -> memref<128xi32, #tpu.memory_space<vmem>>
    %dma_wait3A_283 = arith.constant 0 : i32
    %dma_wait3A_284 = arith.constant 0 : i32
    %dma_wait3A_285 = tpu.memref_slice %arg26[%dma_wait3A_283, %dma_wait3A_284] : memref<10112x128xbf16, #tpu.memory_space<vmem_shared>> -> memref<10112x128xbf16, #tpu.memory_space<vmem_shared>>
    tpu.wait_indirect_dma semaphore(%arg48 : memref<!tpu.dma_semaphore, #tpu.memory_space<semaphore_mem>>) src(%arg17 : memref<128x128xbf16, #tpu.memory_space<vmem>>) dst(%dma_wait3A_285 : memref<10112x128xbf16, #tpu.memory_space<vmem_shared>>)
    %dma_wait3A_286 = arith.constant 1 : i32
    %dma_wait3A_287 = arith.constant 0 : i32
    %dma_wait3A_288 = tpu.memref_slice %arg8[%dma_wait3A_286, %dma_wait3A_287] : memref<2x128xi32, #tpu.memory_space<vmem>> -> memref<1x128xi32, #tpu.memory_space<vmem>>
    %dma_wait3A_289 = tpu.memref_squeeze %dma_wait3A_288 : memref<1x128xi32, #tpu.memory_space<vmem>> -> memref<128xi32, #tpu.memory_space<vmem>>
    %dma_wait3A_290 = arith.constant 0 : i32
    %dma_wait3A_291 = arith.constant 0 : i32
    %dma_wait3A_292 = tpu.memref_slice %arg26[%dma_wait3A_290, %dma_wait3A_291] : memref<10112x128xbf16, #tpu.memory_space<vmem_shared>> -> memref<10112x128xbf16, #tpu.memory_space<vmem_shared>>
    tpu.wait_indirect_dma semaphore(%arg49 : memref<!tpu.dma_semaphore, #tpu.memory_space<semaphore_mem>>) src(%arg18 : memref<128x128xbf16, #tpu.memory_space<vmem>>) dst(%dma_wait3A_292 : memref<10112x128xbf16, #tpu.memory_space<vmem_shared>>)
    %dma_wait3A_293 = arith.constant 1 : i32
    %dma_wait3A_294 = arith.constant 0 : i32
    %dma_wait3A_295 = tpu.memref_slice %arg9[%dma_wait3A_293, %dma_wait3A_294] : memref<2x128xi32, #tpu.memory_space<vmem>> -> memref<1x128xi32, #tpu.memory_space<vmem>>
    %dma_wait3A_296 = tpu.memref_squeeze %dma_wait3A_295 : memref<1x128xi32, #tpu.memory_space<vmem>> -> memref<128xi32, #tpu.memory_space<vmem>>
    %dma_wait3A_297 = arith.constant 0 : i32
    %dma_wait3A_298 = arith.constant 0 : i32
    %dma_wait3A_299 = tpu.memref_slice %arg26[%dma_wait3A_297, %dma_wait3A_298] : memref<10112x128xbf16, #tpu.memory_space<vmem_shared>> -> memref<10112x128xbf16, #tpu.memory_space<vmem_shared>>
    tpu.wait_indirect_dma semaphore(%arg50 : memref<!tpu.dma_semaphore, #tpu.memory_space<semaphore_mem>>) src(%arg19 : memref<128x128xbf16, #tpu.memory_space<vmem>>) dst(%dma_wait3A_299 : memref<10112x128xbf16, #tpu.memory_space<vmem_shared>>)
    %dma_wait3A_300 = arith.constant 1 : i32
    %dma_wait3A_301 = arith.constant 0 : i32
    %dma_wait3A_302 = tpu.memref_slice %arg10[%dma_wait3A_300, %dma_wait3A_301] : memref<2x128xi32, #tpu.memory_space<vmem>> -> memref<1x128xi32, #tpu.memory_space<vmem>>
    %dma_wait3A_303 = tpu.memref_squeeze %dma_wait3A_302 : memref<1x128xi32, #tpu.memory_space<vmem>> -> memref<128xi32, #tpu.memory_space<vmem>>
    %dma_wait3A_304 = arith.constant 0 : i32
    %dma_wait3A_305 = arith.constant 0 : i32
    %dma_wait3A_306 = tpu.memref_slice %arg26[%dma_wait3A_304, %dma_wait3A_305] : memref<10112x128xbf16, #tpu.memory_space<vmem_shared>> -> memref<10112x128xbf16, #tpu.memory_space<vmem_shared>>
    tpu.wait_indirect_dma semaphore(%arg51 : memref<!tpu.dma_semaphore, #tpu.memory_space<semaphore_mem>>) src(%arg20 : memref<128x128xbf16, #tpu.memory_space<vmem>>) dst(%dma_wait3A_306 : memref<10112x128xbf16, #tpu.memory_space<vmem_shared>>)
    %dma_wait3A_307 = arith.constant 1 : i32
    %dma_wait3A_308 = arith.constant 0 : i32
    %dma_wait3A_309 = tpu.memref_slice %arg11[%dma_wait3A_307, %dma_wait3A_308] : memref<2x128xi32, #tpu.memory_space<vmem>> -> memref<1x128xi32, #tpu.memory_space<vmem>>
    %dma_wait3A_310 = tpu.memref_squeeze %dma_wait3A_309 : memref<1x128xi32, #tpu.memory_space<vmem>> -> memref<128xi32, #tpu.memory_space<vmem>>
    %dma_wait3A_311 = arith.constant 0 : i32
    %dma_wait3A_312 = arith.constant 0 : i32
    %dma_wait3A_313 = tpu.memref_slice %arg26[%dma_wait3A_311, %dma_wait3A_312] : memref<10112x128xbf16, #tpu.memory_space<vmem_shared>> -> memref<10112x128xbf16, #tpu.memory_space<vmem_shared>>
    tpu.wait_indirect_dma semaphore(%arg52 : memref<!tpu.dma_semaphore, #tpu.memory_space<semaphore_mem>>) src(%arg21 : memref<128x128xbf16, #tpu.memory_space<vmem>>) dst(%dma_wait3A_313 : memref<10112x128xbf16, #tpu.memory_space<vmem_shared>>)
    %dma_wait3A_314 = arith.constant 1 : i32
    %dma_wait3A_315 = arith.constant 0 : i32
    %dma_wait3A_316 = tpu.memref_slice %arg12[%dma_wait3A_314, %dma_wait3A_315] : memref<2x128xi32, #tpu.memory_space<vmem>> -> memref<1x128xi32, #tpu.memory_space<vmem>>
    %dma_wait3A_317 = tpu.memref_squeeze %dma_wait3A_316 : memref<1x128xi32, #tpu.memory_space<vmem>> -> memref<128xi32, #tpu.memory_space<vmem>>
    %dma_wait3A_318 = arith.constant 0 : i32
    %dma_wait3A_319 = arith.constant 0 : i32
    %dma_wait3A_320 = tpu.memref_slice %arg26[%dma_wait3A_318, %dma_wait3A_319] : memref<10112x128xbf16, #tpu.memory_space<vmem_shared>> -> memref<10112x128xbf16, #tpu.memory_space<vmem_shared>>
    tpu.wait_indirect_dma semaphore(%arg53 : memref<!tpu.dma_semaphore, #tpu.memory_space<semaphore_mem>>) src(%arg22 : memref<128x128xbf16, #tpu.memory_space<vmem>>) dst(%dma_wait3A_320 : memref<10112x128xbf16, #tpu.memory_space<vmem_shared>>)
    %dma_wait3A_321 = arith.constant 1 : i32
    %dma_wait3A_322 = arith.constant 0 : i32
    %dma_wait3A_323 = tpu.memref_slice %arg13[%dma_wait3A_321, %dma_wait3A_322] : memref<2x128xi32, #tpu.memory_space<vmem>> -> memref<1x128xi32, #tpu.memory_space<vmem>>
    %dma_wait3A_324 = tpu.memref_squeeze %dma_wait3A_323 : memref<1x128xi32, #tpu.memory_space<vmem>> -> memref<128xi32, #tpu.memory_space<vmem>>
    %dma_wait3A_325 = arith.constant 0 : i32
    %dma_wait3A_326 = arith.constant 0 : i32
    %dma_wait3A_327 = tpu.memref_slice %arg26[%dma_wait3A_325, %dma_wait3A_326] : memref<10112x128xbf16, #tpu.memory_space<vmem_shared>> -> memref<10112x128xbf16, #tpu.memory_space<vmem_shared>>
    tpu.wait_indirect_dma semaphore(%arg54 : memref<!tpu.dma_semaphore, #tpu.memory_space<semaphore_mem>>) src(%arg23 : memref<128x128xbf16, #tpu.memory_space<vmem>>) dst(%dma_wait3A_327 : memref<10112x128xbf16, #tpu.memory_space<vmem_shared>>)
    %lt3A = arith.constant 4 : i32
    %lt3A_328 = arith.cmpi slt, %add3A, %lt3A : i32
    %convert_element_type3A = arith.extui %lt3A_328 : i1 to i32
    %cond3A = arith.constant 0 : i32
    %cond3A_329 = arith.cmpi ne, %convert_element_type3A, %cond3A : i32
    scf.if %cond3A_329 {
      %add3A_335 = arith.constant 2496 : i32
      %add3A_336 = arith.addi %add3A_335, %add3A : i32
      %mul3A_337 = arith.constant 128 : i32
      %mul3A_338 = arith.muli %add3A_336, %mul3A_337 : i32
      "tpu.region"() ({
        %run_scoped3A_353 = tpu.sem_alloc : memref<!tpu.dma_semaphore, #tpu.memory_space<semaphore_mem>>
        %dma_start3A_354 = arith.constant 0 : i32
        %dma_start3A_355 = tpu.memref_slice %arg2[%dma_start3A_354, %mul3A_338] : memref<2x320000xi32, #tpu.memory_space<hbm>> -> memref<2x128xi32, #tpu.memory_space<hbm>>
        %dma_start3A_356 = arith.constant 0 : i32
        %dma_start3A_357 = tpu.memref_slice %arg2[%dma_start3A_356, %mul3A_338] : memref<2x320000xi32, #tpu.memory_space<hbm>> -> memref<2x128xi32, #tpu.memory_space<hbm>>
        tpu.enqueue_dma source(%dma_start3A_357 : memref<2x128xi32, #tpu.memory_space<hbm>>) target(%arg6 : memref<2x128xi32, #tpu.memory_space<vmem>>) target_semaphore(%run_scoped3A_353 : memref<!tpu.dma_semaphore, #tpu.memory_space<semaphore_mem>>)
        %dma_wait3A_358 = arith.constant 0 : i32
        %dma_wait3A_359 = tpu.memref_slice %arg2[%dma_wait3A_358, %mul3A_338] : memref<2x320000xi32, #tpu.memory_space<hbm>> -> memref<2x128xi32, #tpu.memory_space<hbm>>
        %dma_wait3A_360 = arith.constant 0 : i32
        %dma_wait3A_361 = tpu.memref_slice %arg2[%dma_wait3A_360, %mul3A_338] : memref<2x320000xi32, #tpu.memory_space<hbm>> -> memref<2x128xi32, #tpu.memory_space<hbm>>
        tpu.wait_dma2 semaphore(%run_scoped3A_353 : memref<!tpu.dma_semaphore, #tpu.memory_space<semaphore_mem>>) src(%dma_wait3A_361 : memref<2x128xi32, #tpu.memory_space<hbm>>) dst(%arg6 : memref<2x128xi32, #tpu.memory_space<vmem>>)
        tpu.yield
      }) : () -> ()
      %dma_start3A_339 = arith.constant 0 : i32
      %dma_start3A_340 = arith.constant 0 : i32
      %dma_start3A_341 = tpu.memref_slice %arg6[%dma_start3A_339, %dma_start3A_340] : memref<2x128xi32, #tpu.memory_space<vmem>> -> memref<1x128xi32, #tpu.memory_space<vmem>>
      %dma_start3A_342 = tpu.memref_squeeze %dma_start3A_341 : memref<1x128xi32, #tpu.memory_space<vmem>> -> memref<128xi32, #tpu.memory_space<vmem>>
      %dma_start3A_343 = arith.constant 0 : i32
      %dma_start3A_344 = arith.constant 0 : i32
      %dma_start3A_345 = tpu.memref_slice %arg3[%dma_start3A_343, %dma_start3A_344] : memref<10000x128xbf16, #tpu.memory_space<hbm>> -> memref<10000x128xbf16, #tpu.memory_space<hbm>>
      tpu.enqueue_indirect_dma source(%dma_start3A_345 : memref<10000x128xbf16, #tpu.memory_space<hbm>>) target(%arg16 : memref<128x128xbf16, #tpu.memory_space<vmem>>) offsets(%dma_start3A_342 : memref<128xi32, #tpu.memory_space<vmem>>) semaphore(%arg37 : memref<!tpu.dma_semaphore, #tpu.memory_space<semaphore_mem>>)
      %dma_wait3A_346 = arith.constant 0 : i32
      %dma_wait3A_347 = arith.constant 0 : i32
      %dma_wait3A_348 = tpu.memref_slice %arg6[%dma_wait3A_346, %dma_wait3A_347] : memref<2x128xi32, #tpu.memory_space<vmem>> -> memref<1x128xi32, #tpu.memory_space<vmem>>
      %dma_wait3A_349 = tpu.memref_squeeze %dma_wait3A_348 : memref<1x128xi32, #tpu.memory_space<vmem>> -> memref<128xi32, #tpu.memory_space<vmem>>
      %dma_wait3A_350 = arith.constant 0 : i32
      %dma_wait3A_351 = arith.constant 0 : i32
      %dma_wait3A_352 = tpu.memref_slice %arg3[%dma_wait3A_350, %dma_wait3A_351] : memref<10000x128xbf16, #tpu.memory_space<hbm>> -> memref<10000x128xbf16, #tpu.memory_space<hbm>>
      tpu.wait_indirect_dma semaphore(%arg37 : memref<!tpu.dma_semaphore, #tpu.memory_space<semaphore_mem>>) src(%dma_wait3A_352 : memref<10000x128xbf16, #tpu.memory_space<hbm>>) dst(%arg16 : memref<128x128xbf16, #tpu.memory_space<vmem>>)
      %run_scoped3A = arith.constant 1 : i32
      "tpu.region"() ({
        %run_scoped3A_353 = tpu.sem_alloc : memref<!tpu.dma_semaphore, #tpu.memory_space<semaphore_mem>>
        %dma_start3A_354 = arith.constant 0 : i32
        %dma_start3A_355 = tpu.memref_slice %arg6[%run_scoped3A, %dma_start3A_354] : memref<2x128xi32, #tpu.memory_space<vmem>> -> memref<1x128xi32, #tpu.memory_space<vmem>>
        %dma_start3A_356 = tpu.memref_squeeze %dma_start3A_355 : memref<1x128xi32, #tpu.memory_space<vmem>> -> memref<128xi32, #tpu.memory_space<vmem>>
        %dma_start3A_357 = arith.constant 0 : i32
        %dma_start3A_358 = arith.constant 0 : i32
        %dma_start3A_359 = tpu.memref_slice %arg26[%dma_start3A_357, %dma_start3A_358] : memref<10112x128xbf16, #tpu.memory_space<vmem_shared>> -> memref<10112x128xbf16, #tpu.memory_space<vmem_shared>>
        tpu.enqueue_indirect_dma source(%arg16 : memref<128x128xbf16, #tpu.memory_space<vmem>>) target(%dma_start3A_359 : memref<10112x128xbf16, #tpu.memory_space<vmem_shared>>) offsets(%dma_start3A_356 : memref<128xi32, #tpu.memory_space<vmem>>) semaphore(%run_scoped3A_353 : memref<!tpu.dma_semaphore, #tpu.memory_space<semaphore_mem>>) {add = true}
        %dma_wait3A_360 = arith.constant 0 : i32
        %dma_wait3A_361 = tpu.memref_slice %arg6[%run_scoped3A, %dma_wait3A_360] : memref<2x128xi32, #tpu.memory_space<vmem>> -> memref<1x128xi32, #tpu.memory_space<vmem>>
        %dma_wait3A_362 = tpu.memref_squeeze %dma_wait3A_361 : memref<1x128xi32, #tpu.memory_space<vmem>> -> memref<128xi32, #tpu.memory_space<vmem>>
        %dma_wait3A_363 = arith.constant 0 : i32
        %dma_wait3A_364 = arith.constant 0 : i32
        %dma_wait3A_365 = tpu.memref_slice %arg26[%dma_wait3A_363, %dma_wait3A_364] : memref<10112x128xbf16, #tpu.memory_space<vmem_shared>> -> memref<10112x128xbf16, #tpu.memory_space<vmem_shared>>
        tpu.wait_indirect_dma semaphore(%run_scoped3A_353 : memref<!tpu.dma_semaphore, #tpu.memory_space<semaphore_mem>>) src(%arg16 : memref<128x128xbf16, #tpu.memory_space<vmem>>) dst(%dma_wait3A_365 : memref<10112x128xbf16, #tpu.memory_space<vmem_shared>>)
        tpu.yield
      }) : () -> ()
    } else {
    }
    %barrier3A_330 = arith.constant 0 : index
    tpu.barrier barrier_id(%barrier3A_330)
    %mul3A_331 = arith.constant 632 : i32
    %mul3A_332 = arith.muli %arg1, %mul3A_331 : i32
    %mul3A_333 = arith.constant 632 : i32
    %mul3A_334 = arith.muli %arg1, %mul3A_333 : i32
    "tpu.region"() ({
      %run_scoped3A = tpu.sem_alloc : memref<!tpu.dma_semaphore, #tpu.memory_space<semaphore_mem>>
      %dma_start3A_335 = arith.constant 0 : i32
      %dma_start3A_336 = tpu.memref_slice %arg5[%arg0, %mul3A_334, %dma_start3A_335] : memref<2x10112x128xbf16, #tpu.memory_space<hbm>> -> memref<1x632x128xbf16, #tpu.memory_space<hbm>>
      %dma_start3A_337 = tpu.memref_squeeze %dma_start3A_336 : memref<1x632x128xbf16, #tpu.memory_space<hbm>> -> memref<632x128xbf16, #tpu.memory_space<hbm>>
      %dma_start3A_338 = arith.constant 0 : i32
      %dma_start3A_339 = tpu.memref_slice %arg26[%mul3A_332, %dma_start3A_338] : memref<10112x128xbf16, #tpu.memory_space<vmem_shared>> -> memref<632x128xbf16, #tpu.memory_space<vmem_shared>>
      tpu.enqueue_dma source(%dma_start3A_339 : memref<632x128xbf16, #tpu.memory_space<vmem_shared>>) target(%dma_start3A_337 : memref<632x128xbf16, #tpu.memory_space<hbm>>) target_semaphore(%run_scoped3A : memref<!tpu.dma_semaphore, #tpu.memory_space<semaphore_mem>>)
      %dma_wait3A_340 = arith.constant 0 : i32
      %dma_wait3A_341 = tpu.memref_slice %arg5[%arg0, %mul3A_334, %dma_wait3A_340] : memref<2x10112x128xbf16, #tpu.memory_space<hbm>> -> memref<1x632x128xbf16, #tpu.memory_space<hbm>>
      %dma_wait3A_342 = tpu.memref_squeeze %dma_wait3A_341 : memref<1x632x128xbf16, #tpu.memory_space<hbm>> -> memref<632x128xbf16, #tpu.memory_space<hbm>>
      %dma_wait3A_343 = arith.constant 0 : i32
      %dma_wait3A_344 = tpu.memref_slice %arg26[%mul3A_332, %dma_wait3A_343] : memref<10112x128xbf16, #tpu.memory_space<vmem_shared>> -> memref<632x128xbf16, #tpu.memory_space<vmem_shared>>
      tpu.wait_dma2 semaphore(%run_scoped3A : memref<!tpu.dma_semaphore, #tpu.memory_space<semaphore_mem>>) src(%dma_wait3A_344 : memref<632x128xbf16, #tpu.memory_space<vmem_shared>>) dst(%dma_wait3A_342 : memref<632x128xbf16, #tpu.memory_space<hbm>>)
      tpu.yield
    }) : () -> ()
    return
  }
}

module attributes {stable_mosaic.version = 14 : i64} {
  func.func @_scale_body(%arg0: i32, %arg1: memref<2000x128xf32, #tpu.memory_space<vmem>>, %arg2: memref<2000x1xf32, #tpu.memory_space<vmem>>, %arg3: memref<2000x128xbf16, #tpu.memory_space<vmem>>, %arg4: memref<2048x128xbf16, #tpu.memory_space<vmem>>) attributes {dimension_semantics = [#tpu.dimension_semantics<arbitrary>], iteration_bounds = array<i64: 5>, scalar_prefetch = 0 : i64, scratch_operands = 0 : i64, tpu.core_type = #tpu.core_type<tc>, window_params = [{transform_indices = @transform_0, window_bounds = array<i64: 2000, 128>}, {transform_indices = @transform_1, window_bounds = array<i64: 2000, 1>}, {transform_indices = @transform_2, window_bounds = array<i64: 2000, 128>}, {transform_indices = @transform_3, window_bounds = array<i64: 2048, 128>}]} {
    %get3A = arith.constant 0 : index
    %get3A_0 = arith.constant 0 : index
    %get3A_1 = vector.load %arg1[%get3A, %get3A_0] : memref<2000x128xf32, #tpu.memory_space<vmem>>, vector<2000x128xf32>
    %get3A_2 = arith.constant 0 : index
    %get3A_3 = arith.constant 0 : index
    %get3A_4 = vector.load %arg2[%get3A_2, %get3A_3] : memref<2000x1xf32, #tpu.memory_space<vmem>>, vector<2000x1xf32>
    %mul3A = vector.broadcast %get3A_4 : vector<2000x1xf32> to vector<2000x128xf32>
    %mul3A_5 = arith.mulf %get3A_1, %mul3A : vector<2000x128xf32>
    %convert_element_type3A = arith.truncf %mul3A_5 : vector<2000x128xf32> to vector<2000x128xbf16>
    %swap3A = arith.constant 0 : index
    %swap3A_6 = arith.constant 0 : index
    %swap3A_7 = vector.load %arg3[%swap3A, %swap3A_6] : memref<2000x128xbf16, #tpu.memory_space<vmem>>, vector<2000x128xbf16>
    tpu.vector_store %arg3[%swap3A, %swap3A_6], %convert_element_type3A {strides = array<i32>} : memref<2000x128xbf16, #tpu.memory_space<vmem>>, vector<2000x128xbf16>,
    %broadcast_in_dim3A = arith.constant 0.000000e+00 : bf16
    %broadcast_in_dim3A_8 = vector.broadcast %broadcast_in_dim3A : bf16 to vector<2048x128xbf16>
    %swap3A_9 = arith.constant 0 : index
    %swap3A_10 = arith.constant 0 : index
    %swap3A_11 = vector.load %arg4[%swap3A_9, %swap3A_10] : memref<2048x128xbf16, #tpu.memory_space<vmem>>, vector<2048x128xbf16>
    tpu.vector_store %arg4[%swap3A_9, %swap3A_10], %broadcast_in_dim3A_8 {strides = array<i32>} : memref<2048x128xbf16, #tpu.memory_space<vmem>>, vector<2048x128xbf16>,
    return
  }
  func.func @transform_0(%arg0: i32) -> (i32, i32) {
    %c0_i32 = arith.constant 0 : i32
    %c0_i32_0 = arith.constant 0 : i32
    return %arg0, %c0_i32 : i32, i32
  }
  func.func @transform_1(%arg0: i32) -> (i32, i32) {
    %c0_i32 = arith.constant 0 : i32
    %c0_i32_0 = arith.constant 0 : i32
    return %arg0, %c0_i32 : i32, i32
  }
  func.func @transform_2(%arg0: i32) -> (i32, i32) {
    %c0_i32 = arith.constant 0 : i32
    %c0_i32_0 = arith.constant 0 : i32
    return %arg0, %c0_i32 : i32, i32
  }
  func.func @transform_3(%arg0: i32) -> (i32, i32) {
    %c0_i32 = arith.constant 0 : i32
    %c0_i32_0 = arith.constant 0 : i32
    return %arg0, %c0_i32 : i32, i32
  }
}

module attributes {stable_mosaic.version = 14 : i64} {
  func.func @_combine_body(%arg0: i32, %arg1: memref<2x2000x128xbf16, #tpu.memory_space<vmem>>, %arg2: memref<2000x1xf32, #tpu.memory_space<vmem>>, %arg3: memref<2000x256xf32, #tpu.memory_space<vmem>>) attributes {dimension_semantics = [#tpu.dimension_semantics<arbitrary>], iteration_bounds = array<i64: 5>, scalar_prefetch = 0 : i64, scratch_operands = 0 : i64, tpu.core_type = #tpu.core_type<tc>, window_params = [{transform_indices = @transform_0, window_bounds = array<i64: 2, 2000, 128>}, {transform_indices = @transform_1, window_bounds = array<i64: 2000, 1>}, {transform_indices = @transform_2, window_bounds = array<i64: 2000, 256>}]} {
    %get3A = arith.constant 0 : index
    %get3A_0 = arith.constant 0 : index
    %get3A_1 = arith.constant 0 : index
    %get3A_2 = vector.load %arg1[%get3A, %get3A_0, %get3A_1] : memref<2x2000x128xbf16, #tpu.memory_space<vmem>>, vector<1x2000x128xbf16>
    %get3A_3 = vector.shape_cast %get3A_2 : vector<1x2000x128xbf16> to vector<2000x128xbf16>
    %convert_element_type3A = arith.extf %get3A_3 : vector<2000x128xbf16> to vector<2000x128xf32>
    %get3A_4 = arith.constant 1 : index
    %get3A_5 = arith.constant 0 : index
    %get3A_6 = arith.constant 0 : index
    %get3A_7 = vector.load %arg1[%get3A_4, %get3A_5, %get3A_6] : memref<2x2000x128xbf16, #tpu.memory_space<vmem>>, vector<1x2000x128xbf16>
    %get3A_8 = vector.shape_cast %get3A_7 : vector<1x2000x128xbf16> to vector<2000x128xbf16>
    %convert_element_type3A_9 = arith.extf %get3A_8 : vector<2000x128xbf16> to vector<2000x128xf32>
    %add3A = arith.addf %convert_element_type3A, %convert_element_type3A_9 : vector<2000x128xf32>
    %get3A_10 = arith.constant 0 : index
    %get3A_11 = arith.constant 0 : index
    %get3A_12 = vector.load %arg2[%get3A_10, %get3A_11] : memref<2000x1xf32, #tpu.memory_space<vmem>>, vector<2000x1xf32>
    %mul3A = vector.broadcast %get3A_12 : vector<2000x1xf32> to vector<2000x128xf32>
    %mul3A_13 = arith.mulf %add3A, %mul3A : vector<2000x128xf32>
    %swap3A = arith.constant 0 : index
    %swap3A_14 = arith.constant 0 : index
    %swap3A_15 = vector.load %arg3[%swap3A, %swap3A_14] : memref<2000x256xf32, #tpu.memory_space<vmem>>, vector<2000x128xf32>
    tpu.vector_store %arg3[%swap3A, %swap3A_14], %mul3A_13 {strides = array<i32>} : memref<2000x256xf32, #tpu.memory_space<vmem>>, vector<2000x128xf32>,
    %swap3A_16 = arith.constant 0 : index
    %swap3A_17 = arith.constant 128 : index
    %swap3A_18 = vector.load %arg3[%swap3A_16, %swap3A_17] : memref<2000x256xf32, #tpu.memory_space<vmem>>, vector<2000x128xf32>
    tpu.vector_store %arg3[%swap3A_16, %swap3A_17], %mul3A_13 {strides = array<i32>} : memref<2000x256xf32, #tpu.memory_space<vmem>>, vector<2000x128xf32>,
    return
  }
  func.func @transform_0(%arg0: i32) -> (i32, i32, i32) {
    %c0_i32 = arith.constant 0 : i32
    %c0_i32_0 = arith.constant 0 : i32
    %c0_i32_1 = arith.constant 0 : i32
    return %c0_i32, %arg0, %c0_i32_0 : i32, i32, i32
  }
  func.func @transform_1(%arg0: i32) -> (i32, i32) {
    %c0_i32 = arith.constant 0 : i32
    %c0_i32_0 = arith.constant 0 : i32
    return %arg0, %c0_i32 : i32, i32
  }
  func.func @transform_2(%arg0: i32) -> (i32, i32) {
    %c0_i32 = arith.constant 0 : i32
    %c0_i32_0 = arith.constant 0 : i32
    return %arg0, %c0_i32 : i32, i32
  }
}

</mosaic_0001>

<sc_bundles>
// kernel: kernel.5.cloned.1.call-start
scs
__scs_entry_jumppad:
0x0: {  	(pc) =	sbr.rel $0x88, $3  }
0x1: {  	(tag) =	ssettag $0x0;
	lr =	simm.s32 $0x1  }
0x2: {  	[smem:$0x3F9D] =	sst lr;
	_ =	strace $0xD0000000  }
0x3: {  	_ = 	snop  }
0x4: {  	_ = 	snop  }
0x5: {  	_ = 	snop  }
0x6: {  	_ = 	snop  }
0x7: {  	_ = 	snop  }
__scs_overlays_trampoline_lowered:
0x8: {  	[smem:$0x3FAC] =	sst s0  }
0x9: {  	[smem:$0x3FAD] =	sst s1  }
0xa: {  	[smem:$0x3FAE] =	sst s2  }
0xb: {  	[smem:$0x3FAF] =	sst s3  }
0xc: {  	[smem:$0x3FB0] =	sst s4  }
0xd: {  	[smem:$0x3FB1] =	sst s5  }
0xe: {  	[smem:$0x3FB2] =	sst s6  }
0xf: {  	[smem:$0x3FB3] =	sst s7  }
0x10: {  	[smem:$0x3FB4] =	sst s8  }
0x11: {  	[smem:$0x3FB5] =	sst s9;
	s0 =	simm.s32 @!p0 $0x0  }
0x12: {  	s1 =	sld [smem:$0x3F9B];
	s0 =	simm.s32 @p0 $0x1  }
0x13: {  	[smem:$0x3FB6] =	sst s0;
	s0 =	simm.s32 @!p1 $0x0  }
0x14: {  	s2 =	sld [smem:$0x3F9A];
	s0 =	simm.s32 @p1 $0x1  }
0x15: {  	[smem:$0x3FB7] =	sst s0;
	s0 =	simm.s32 @!p2 $0x0  }
0x16: {  	s3 =	sld [smem:$0x3FDB];
	s0 =	simm.s32 @p2 $0x1  }
0x17: {  	s4 =	simm.s32 $0x1BF5;
	[smem:$0x3FB9] =	sst s0  }
0x18: {  	s0 =	sld [smem:$0x3F9C];
	_ =	swait.ge [sflag:s4], $0x0  }
0x19: {  	s7 =	sld [smem:$0x3F9D]  }
0x1a: {  	s8 =	sadd.s32 $0xFFFFE003, lr  }
0x1b: {  	s9 =	sadd.s32 $0xFFFFFEF7, lr;
	s5 =	simm.s32 $0xFFFFFFFF;
	p2 =	slt.u32 s8, $0xFFFFF086  }
0x1c: {  	p1 =	slt.u32 s9, $0xF7A;
	s5 =	simm.s32 @!p2 $0x0  }
0x1d: {  	s5 =	simm.s32 @p1 $0x1;
	p0 =	seq.s32 s7, s2  }
0x1e: {  	s7 =	smul.u32 @!p0 $0xF7A, s2;
	p2 =	seq.s32 @!p0 s5, $0x0  }
0x1f: {  	s9 =	smul.u32 $0xF7A, s1;
	s8 =	simm.s32 @!p0 $0x1BF5;
	p2 =	por !p2, p0  }
0x20: {  	[sflag:s8] =	ssyncset.s32 @!p0 $0xFFFFF086;
	s6 =	sadd.s32 @!p0 s3, s7;
	s7 =	simm.s32 @!p0 $0x108  }
0x21: {  	s3 =	sadd.s32 s3, s9;
	s6 =	sadd.s32 @!p0 $0x88, s6;
	s7 =	simm.s32 @p2 $0x1082  }
0x22: {  	[simem:s7], [sflag:s8] =	dma.local @!p0 [hbm:s6], $0xF7A  }
0x23: {  	s9 =	sor.u32 $0xD0000000, s2;
	s6 =	simm.s32 $0x108;
	_ =	swait.ge @!p0 [sflag:s8], $0x0  }
0x24: {  	s3 =	sadd.s32 $0x88, s3;
	s6 =	simm.s32 @!p1 $0x1082;
	[sflag:s4] =	ssyncset.s32 $0xFFFFF086  }
0x25: {  	[simem:s6], [sflag:s4] =	dma.local [hbm:s3], $0xF7A  }
0x26: {  	[smem:$0x3F9D] =	sst s1;
	(tag) =	ssettag s2;
	_ =	strace s9  }
0x27: {  	s1 =	sld [smem:$0x3FAD]  }
0x28: {  	s2 =	sld [smem:$0x3FAE]  }
0x29: {  	s4 =	sld [smem:$0x3FB0]  }
0x2a: {  	p0 =	seq.s32 s5, $0x0;
	s5 =	sld [smem:$0x3FB1]  }
0x2b: {  	s6 =	sld [smem:$0x3FB2]  }
0x2c: {  	s7 =	sld [smem:$0x3FB3]  }
0x2d: {  	s3 =	simm.s32 $0x108;
	s8 =	sld [smem:$0x3FB4]  }
0x2e: {  	s3 =	simm.s32 @!p0 $0x1082;
	s9 =	sld [smem:$0x3FB5]  }
0x2f: {  	lr =	sadd.s32 s0, s3;
	s0 =	sld [smem:$0x3FAC]  }
0x30: {  	s3 =	sld [smem:$0x3FAF]  }
0x31: {  	[smem:$0x3FB8] =	sst s10  }
0x32: {  	s10 =	sld [smem:$0x3FB6];
	_ =	sdelay $0x3  }
0x33: {  	p0 =	seq.s32 s10, $0x1;
	s10 =	sld [smem:$0x3FB8];
	_ =	sdelay $0x3  }
0x34: {  	[smem:$0x3FB8] =	sst s10  }
0x35: {  	s10 =	sld [smem:$0x3FB7];
	_ =	sdelay $0x3  }
0x36: {  	p1 =	seq.s32 s10, $0x1;
	s10 =	sld [smem:$0x3FB8];
	_ =	sdelay $0x3  }
0x37: {  	[smem:$0x3FB8] =	sst s10  }
0x38: {  	s10 =	sld [smem:$0x3FB9]  }
0x39: {  	_ = 	snop;
	(pc) =	sbr.ind lr, $3  }
0x3a: {  	_ = 	snop  }
0x3b: {  	_ = 	snop  }
0x3c: {  	p2 =	seq.s32 s10, $0x1;
	s10 =	sld [smem:$0x3FB8]  }
0x3d: {  	_ =	shalt  }
0x3e: {  	_ =	shalt  }
0x3f: {  	_ =	shalt  }
0x40: {  	_ =	shalt  }
0x41: {  	_ =	shalt  }
0x42: {  	_ =	shalt  }
0x43: {  	_ =	shalt  }
0x44: {  	_ =	shalt  }
0x45: {  	_ =	shalt  }
0x46: {  	_ =	shalt  }
0x47: {  	_ =	shalt  }
0x48: {  	_ =	shalt  }
0x49: {  	_ =	shalt  }
0x4a: {  	_ =	shalt  }
0x4b: {  	_ =	shalt  }
0x4c: {  	_ =	shalt  }
0x4d: {  	_ =	shalt  }
0x4e: {  	_ =	shalt  }
0x4f: {  	_ =	shalt  }
0x50: {  	_ =	shalt  }
0x51: {  	_ =	shalt  }
0x52: {  	_ =	shalt  }
0x53: {  	_ =	shalt  }
0x54: {  	_ =	shalt  }
0x55: {  	_ =	shalt  }
0x56: {  	_ =	shalt  }
0x57: {  	_ =	shalt  }
0x58: {  	_ =	shalt  }
0x59: {  	_ =	shalt  }
0x5a: {  	_ =	shalt  }
0x5b: {  	_ =	shalt  }
0x5c: {  	_ =	shalt  }
0x5d: {  	_ =	shalt  }
0x5e: {  	_ =	shalt  }
0x5f: {  	_ =	shalt  }
0x60: {  	_ =	shalt  }
0x61: {  	_ =	shalt  }
0x62: {  	_ =	shalt  }
0x63: {  	_ =	shalt  }
0x64: {  	_ =	shalt  }
0x65: {  	_ =	shalt  }
0x66: {  	_ =	shalt  }
0x67: {  	_ =	shalt  }
0x68: {  	_ =	shalt  }
0x69: {  	_ =	shalt  }
0x6a: {  	_ =	shalt  }
0x6b: {  	_ =	shalt  }
0x6c: {  	_ =	shalt  }
0x6d: {  	_ =	shalt  }
0x6e: {  	_ =	shalt  }
0x6f: {  	_ =	shalt  }
0x70: {  	_ =	shalt  }
0x71: {  	_ =	shalt  }
0x72: {  	_ =	shalt  }
0x73: {  	_ =	shalt  }
0x74: {  	_ =	shalt  }
0x75: {  	_ =	shalt  }
0x76: {  	_ =	shalt  }
0x77: {  	_ =	shalt  }
0x78: {  	_ =	shalt  }
0x79: {  	_ =	shalt  }
0x7a: {  	_ =	shalt  }
0x7b: {  	_ =	shalt  }
0x7c: {  	_ =	shalt  }
0x7d: {  	_ =	shalt  }
0x7e: {  	_ =	shalt  }
0x7f: {  	_ =	shalt  }
0x80: {  	_ =	shalt  }
0x81: {  	_ =	shalt  }
0x82: {  	_ =	shalt  }
0x83: {  	_ =	shalt  }
0x84: {  	_ =	shalt  }
0x85: {  	_ =	shalt  }
0x86: {  	_ =	shalt  }
0x87: {  	_ =	shalt  }
.Lfunc_end0:
.L_simem_size_0:
called_computation_lowered:
.L_overlay_start_0:
0x88: {  	s2 =	sld [smem:$0x3FD9]  }
0x89: {  	s3 =	sld [smem:$0x3FFE];
	_ =	sdelay $0x1  }
0x8a: {  	s1 =	srdreg.scid  }
0x8b: {  	s0 =	sand.u32 $0x1, s1  }
0x8c: {  	s14 =	sshll.u32 s0, $0xA;
	s2 =	sadd.s32 s3, s2  }
0x8d: {  	s2 =	sadd.s32 s2, s14  }
0x8e: {  	[smem:$0x3FC4] =	sst s2  }
0x8f: {  	_ = 	snop  }
0x90: {  	s2 =	sld [smem:$0x3FD0];
	_ =	sdelay $0x2  }
0x91: {  	s15 =	simm.s32 $0xA;
	s4 =	simm.s32 $0x10  }
0x92: {  	[smem:s4], [sflag:s15] =	dma.local [hbm:s2], $0x1  }
0x93: {  	_ =	swait.eq [sflag:s15], $0x1  }
0x94: {  	[sflag:s15] =	ssyncset.done $0x0  }
0x95: {  	s16 =	sld [smem:$0x10];
	[sflag:s15] =	ssyncadd.s32 $0xFFFFFFFF  }
0x96: {  	s17 =	sld [smem:$0x11];
	(tm) =	ssettm $0x1  }
0x97: {  	s18 =	sld [smem:$0x3FFB];
	_ =	sdelay $0x3  }
0x98: {  	_ =	strace s18  }
0x99: {  	s4 =	sld [smem:$0x3FFC];
	_ =	sdelay $0x3  }
0x9a: {  	_ =	strace s4  }
0x9b: {  	s4 =	sld [smem:$0x3FFD];
	_ =	sdelay $0x3  }
0x9c: {  	_ =	strace s4  }
0x9d: {  	_ =	strace $0x8FFFFFFF  }
0x9e: {  	s19 =	sld [smem:$0x3FDB];
	_ =	sdelay $0x1  }
0x9f: {  	s5 =	simm.s32 $_scs_section_size  }
0xa0: {  	s6 =	simm.s32 $_size__tile_overlayer_lowered;
	s7 =	simm.s32 $_tile_overlayer_lowered  }
0xa1: {  	s22 =	simm.s32 $0x1BFF;
	s21 =	sshll.u32 s7, $0x1;
	s4 =	sadd.s32 s5, s19  }
0xa2: {  	s8 =	simm.s32 $0x0;
	s20 =	sshll.u32 s6, $0x1;
	s6 =	sadd.s32 s21, s4  }
0xa3: {  	[timem:s8], [sflag:s22] =	dma.local [hbm:s6], s20  }
0xa4: {  	_ =	swait.ge [sflag:s22], s20  }
0xa5: {  	s5 =	ssub.s32 $0x0, s20;
	[sflag:s22] =	ssyncset.done $0x0  }
0xa6: {  	[sflag:s22] =	ssyncadd.s32 s5;
	_ =	sdelay $0x1  }
0xa7: {  	s23 =	simm.s32 $0x1B8B  }
0xa8: {  	_ =	swait.ge [sflag:s23], $0x1  }
0xa9: {  	[sflag:s23] =	ssyncset.done $0x0  }
0xaa: {  	s25 =	simm.s32 $0x1B8E;
	s24 =	sld [smem:$0x3FFE];
	[sflag:s23] =	ssyncadd.s32 $0xFFFFFFFF  }
0xab: {  	s26 =	simm.s32 $execute0_lowered;
	[smem:$0x3FD2] =	sst s25  }
0xac: {  	s6 =	sshll.u32 s26, $0x1;
	_ =	strace $0x80000046;
	[dreg:$0x1] =	wrdreg $0xFFFFFFFF  }
0xad: {  	s28 =	simm.s32 $_size_execute0_lowered;
	s4 =	sadd.s32 s4, s6;
	[dreg:$0x0] =	wrdreg $0x0  }
0xae: {  	s6 =	sshll.u32 s28, $0x1;
	[dreg:$0x2] =	wrdreg s4  }
0xaf: {  	[dreg:$0x3] =	wrdreg s6  }
0xb0: {  	[dreg:$0x4] =	wrdreg $0xC0  }
0xb1: {  	_ =	task [dreg:s8], $0x5FFFF  }
0xb2: {  	[dreg:$0x1] =	wrdreg $0xFFFFFFFF  }
0xb3: {  	[dreg:$0x0] =	wrdreg $0x60  }
0xb4: {  	[dreg:$0x2] =	wrdreg s24  }
0xb5: {  	[dreg:$0x3] =	wrdreg s17  }
0xb6: {  	[dreg:$0x4] =	wrdreg s16  }
0xb7: {  	[dreg:$0x5] =	wrdreg $0x14A000  }
0xb8: {  	[dreg:$0x6] =	wrdreg $0x9  }
0xb9: {  	_ =	task.clear_ibuf [dreg:s8], $0x7FFFF;
	_ =	strace $0x90000046  }
0xba: {  	s29 =	simm.s32 $0x9;
	_ =	strace $0x80000048  }
0xbb: {  	_ =	swait.ge [sflag:s29], $0x1  }
0xbc: {  	[sflag:s29] =	ssyncadd.s32 $0xFFFFFFFF  }
0xbd: {  	_ =	strace $0x90000048  }
0xbe: {  	_ =	sfence  }
0xbf: {  	s30 =	sld [smem:$0x0];
	_ =	sdelay $0x2  }
0xc0: {  	s31 =	sshll.u32 s1, $0xD;
	s1 =	sshrl.u32 s1, $0x2  }
0xc1: {  	s3 =	sand.u32 $0x4000, s31;
	s1 =	sadd.s32 s1, s30  }
0xc2: {  	s0 =	sor.u32 s3, s0;
	s1 =	sshll.u32 s1, $0x11  }
0xc3: {  	s0 =	sor.u32 s1, s0  }
0xc4: {  	s0 =	sadd.s32 $0x8F2B, s0  }
0xc5: {  	[sflag:s0] =	ssyncadd.remote.s32 $0x1  }
0xc6: {  	_ =	sfence.sel $0xFFFF  }
0xc7: {  	[dreg:$0x0] =	wrdreg $0xFFFFFFFF;
	(pc) =	sbr.abs _section_cstart, $3  }
0xc8: {  	[dreg:$0x1] =	wrdreg $0xFFFFFFFF  }
0xc9: {  	_ =	task.clear_ibuf [dreg:s8], $0x2FFFF;
	_ =	strace $0x9FFFFFFF  }
0xca: {  	(tm) =	ssettm $0x7FFFFFFF  }
0xcb: {  	_ =	shalt  }
tec
execute0_lowered:
.L_overlay_start_1:
0x0: {  	(tag) =	ssettag $0x1  }
0x1: {  	s0 =	rddreg [dreg:$0x0]  }
0x2: {  	s2 =	rddreg [dreg:$0x1]  }
0x3: {  	s3 =	rddreg [dreg:$0x2]  }
0x4: {  	s1 =	rddreg [dreg:$0x3];
	s4 =	srdreg.scid  }
0x5: {  	s6 =	simm.s32 $0x0;
	s13 =	stileid.u32;
	s29 =	simm.s32 $0x900  }
0x6: {  	s28 =	simm.s32 $0x9;
	s30 =	simm.s32 $0x10A00;
	s31 =	simm.s32 $0xA  }
0x7: {  	s5 =	sand.u32 $0x1, s4;
	[smem:$0x7FF] =	sst s6;
	s8 =	smul.u32 $0x13C00, s13  }
0x8: {  	s9 =	sadd.s32 $0x14C00, s0;
	s4 =	sadd.s32 $0x1200, s0;
	s24 =	sshll.u32 s13, $0x5  }
0x9: {  	s25 =	sshll.u32 s13, $0x6;
	p0 =	sgt.u32 s13, $0x1;
	s10 =	sshll.u32 s5, $0x4  }
0xa: {  	s13 =	simm.s32 $0x16;
	s11 =	sshrl.u32 s8, $0x4;
	s12 =	sor.u32 s10, s24  }
0xb: {  	_ =	strace $0x80000047;
	s2 =	sadd.s32 s2, s11;
	s26 =	sadd.s32 s12, s9  }
0xc: {  	s12 =	sor.u32 $0x1C1F, s25;
	s25 =	simm.s32 $0x880;
	[dreg:$0x8] =	wrdreg s2  }
0xd: {  	s22 =	ssub.s32 $0x2, s5;
	s18 =	smul.u32 $0x13C000, s5;
	[dreg:$0x6] =	wrdreg s25  }
0xe: {  	s7 =	sshrl.u32 s22, $0x1;
	s14 =	sadd.s32 $0x8C00, s26;
	[dreg:$0x9] =	wrdreg s12  }
0xf: {  	s23 =	sshrl.u32 s8, $0x1;
	s15 =	sadd.s32 $0x8E00, s26;
	[dreg:$0xa] =	wrdreg s14  }
0x10: {  	s0 =	ssub.s32 s22, s7;
	s16 =	sadd.s32 $0x9000, s26;
	[dreg:$0xb] =	wrdreg s15  }
0x11: {  	s6 =	sadd.s32 s23, s1;
	s17 =	sadd.s32 $0x9200, s26;
	[dreg:$0xc] =	wrdreg s16  }
0x12: {  	s23 =	sadd.s32 s24, s9;
	s19 =	sadd.s32 $0x9400, s26;
	[dreg:$0xd] =	wrdreg s17  }
0x13: {  	s9 =	simm.s32 $0x13;
	s20 =	sadd.s32 $0x9600, s26;
	[dreg:$0xe] =	wrdreg s19  }
0x14: {  	s11 =	simm.s32 $0x14;
	s21 =	sadd.s32 $0x9800, s26;
	[dreg:$0xf] =	wrdreg s20  }
0x15: {  	s22 =	sadd.s32 $0x9A00, s26;
	s2 =	sadd.s32 s8, s18;
	[dreg:$0x10] =	wrdreg s21  }
0x16: {  	s24 =	sadd.s32 $0x9C00, s26;
	s5 =	sadd.s32 s10, s23;
	[dreg:$0x11] =	wrdreg s22  }
0x17: {  	s0 =	smax.u32 s0, $0x1;
	s26 =	simm.s32 $0x980;
	[dreg:$0x12] =	wrdreg s24  }
0x18: {  	s18 =	simm.s32 $0x19;
	s23 =	simm.s32 $0x1B;
	[dreg:$0x14] =	wrdreg s0  }
0x19: {  	s8 =	simm.s32 $0x1E;
	s2 =	sshrl.u32 s2, $0x4;
	[dreg:$0x5] =	wrdreg s5  }
0x1a: {  	s14 =	sshrl.u32 s6, $0x3;
	s16 =	simm.s32 $0x1F;
	s20 =	simm.s32 $0x80  }
0x1b: {  	s21 =	simm.s32 $0x4E200;
	[dreg:$0x7] =	wrdreg s26;
	s26 =	simm.s32 $0x800  }
0x1c: {  	s15 =	simm.s32 $0x17;
	s17 =	simm.s32 $0x18;
	s0 =	simm.s32 $0x1C  }
0x1d: {  	s5 =	simm.s32 $0x1D;
	s2 =	sadd.s32 s3, s2;
	[dreg:$0x15] =	wrdreg s14  }
0x1e: {  	s3 =	simm.s32 $0x1A;
	[dreg:$0x13] =	wrdreg s2;
	s2 =	simm.s32 $0x0  }
.LBB2_1:
0x1f: {  	[dreg:$0x16] =	wrdreg s2  }
0x20: {  	s10 =	rddreg [dreg:$0x8]  }
0x21: {  	[spmem:s14], [sflag:s12] =	dma.local [hbm:s10], $0x13C0  }
0x22: {  	_ =	swait.ge [sflag:s16], $0x13C0  }
0x23: {  	[sflag:s16] =	ssyncset.done $0x0  }
0x24: {  	[sflag:s16] =	ssyncadd.s32 $0xFFFFEC40  }
0x25: {  	[bflag:$0x0] =	sbarrier.arrive $0xFFFF  }
0x26: {  	s14 =	rddreg [dreg:$0x5]  }
0x27: {  	s12 =	simm.s32 $0x0;
	s2 =	sadd.s32 $0x0, s14  }
0x28: {  	[tilespmem:s12], [sflag:$0x1] =	stream.strided.gather [hbm4b:s2+s20], $0x100, s21, s20, $0x38;
	[tilespmem:$0x1E800] =	vst v63  }
0x29: {  	s14 =	simm.s32 $0x100;
	s10 =	sadd.s32 $0x200, s2  }
0x2a: {  	[tilespmem:s14], [sflag:$0x2] =	stream.strided.gather [hbm4b:s10+s20], $0x100, s21, s20, $0x38;
	[tilespmem:$0x1E800] =	vst v63  }
0x2b: {  	s6 =	simm.s32 $0x200;
	s16 =	sadd.s32 $0x400, s2  }
0x2c: {  	[tilespmem:s6], [sflag:$0x3] =	stream.strided.gather [hbm4b:s16+s20], $0x100, s21, s20, $0x38;
	[tilespmem:$0x1E800] =	vst v63  }
0x2d: {  	s19 =	sadd.s32 $0x600, s2;
	s16 =	simm.s32 $0x300  }
0x2e: {  	[tilespmem:s16], [sflag:$0x4] =	stream.strided.gather [hbm4b:s19+s20], $0x100, s21, s20, $0x38;
	[tilespmem:$0x1E800] =	vst v63  }
0x2f: {  	s22 =	sadd.s32 $0x800, s2;
	s19 =	simm.s32 $0x400  }
0x30: {  	[tilespmem:s19], [sflag:$0x5] =	stream.strided.gather [hbm4b:s22+s20], $0x100, s21, s20, $0x38;
	[tilespmem:$0x1E800] =	vst v63  }
0x31: {  	s24 =	sadd.s32 $0xA00, s2;
	s22 =	simm.s32 $0x500  }
0x32: {  	[tilespmem:s22], [sflag:$0x6] =	stream.strided.gather [hbm4b:s24+s20], $0x100, s21, s20, $0x38;
	[tilespmem:$0x1E800] =	vst v63  }
0x33: {  	s25 =	sadd.s32 $0xC00, s2;
	s24 =	simm.s32 $0x600  }
0x34: {  	[tilespmem:s24], [sflag:$0x7] =	stream.strided.gather [hbm4b:s25+s20], $0x100, s21, s20, $0x38;
	[tilespmem:$0x1E800] =	vst v63  }
0x35: {  	s7 =	sadd.s32 $0xE00, s2;
	s25 =	simm.s32 $0x700  }
0x36: {  	[tilespmem:s25], [sflag:$0x8] =	stream.strided.gather [hbm4b:s7+s20], $0x100, s21, s20, $0x38;
	[tilespmem:$0x1E800] =	vst v63  }
0x37: {  	s7 =	sadd.s32 $0x1000, s2  }
0x38: {  	[tilespmem:s26], [sflag:$0x9] =	stream.strided.gather [hbm4b:s7+s20], $0x100, s21, s20, $0x38;
	[tilespmem:$0x1E800] =	vst v63  }
0x39: {  	s2 =	sadd.s32 $0x1200, s2;
	s7 =	simm.s32 $0x1  }
0x3a: {  	[tilespmem:s29], [sflag:$0xA] =	stream.strided.gather [hbm4b:s2+s20], $0x100, s21, s20, $0x38;
	[tilespmem:$0x1E800] =	vst v63  }
0x3b: {  	_ =	swait.ge [sflag:s7], $0x100  }
0x3c: {  	[sflag:s7] =	ssyncset.done $0x0  }
0x3d: {  	s10 =	simm.s32 $0xA00;
	s2 =	simm.s32 $0x2;
	[sflag:s7] =	ssyncadd.s32 $0xFFFFFF00  }
0x3e: {  	[tilespmem:s10], [sflag:$0xB] =	stream.indirect.gather [hbm4b:s4+s20], $0x40, s12, s20, $0xb8;
	[tilespmem:$0x1E800] =	vst v63  }
0x3f: {  	_ =	swait.ge [sflag:s2], $0x100  }
0x40: {  	[sflag:s2] =	ssyncset.done $0x0  }
0x41: {  	s7 =	simm.s32 $0x3;
	s12 =	simm.s32 $0x2A00;
	[sflag:s2] =	ssyncadd.s32 $0xFFFFFF00  }
0x42: {  	[tilespmem:s12], [sflag:$0xC] =	stream.indirect.gather [hbm4b:s4+s20], $0x40, s14, s20, $0xb8;
	[tilespmem:$0x1E800] =	vst v63  }
0x43: {  	_ =	swait.ge [sflag:s7], $0x100  }
0x44: {  	[sflag:s7] =	ssyncset.done $0x0  }
0x45: {  	s2 =	simm.s32 $0x4;
	s14 =	simm.s32 $0x4A00;
	[sflag:s7] =	ssyncadd.s32 $0xFFFFFF00  }
0x46: {  	[tilespmem:s14], [sflag:$0xD] =	stream.indirect.gather [hbm4b:s4+s20], $0x40, s6, s20, $0xb8;
	[tilespmem:$0x1E800] =	vst v63  }
0x47: {  	_ =	swait.ge [sflag:s2], $0x100  }
0x48: {  	[sflag:s2] =	ssyncset.done $0x0  }
0x49: {  	s7 =	simm.s32 $0x5;
	s6 =	simm.s32 $0x6A00;
	[sflag:s2] =	ssyncadd.s32 $0xFFFFFF00  }
0x4a: {  	[tilespmem:s6], [sflag:$0xE] =	stream.indirect.gather [hbm4b:s4+s20], $0x40, s16, s20, $0xb8;
	[tilespmem:$0x1E800] =	vst v63  }
0x4b: {  	_ =	swait.ge [sflag:s7], $0x100  }
0x4c: {  	[sflag:s7] =	ssyncset.done $0x0  }
0x4d: {  	s2 =	simm.s32 $0x6;
	s16 =	simm.s32 $0x8A00;
	[sflag:s7] =	ssyncadd.s32 $0xFFFFFF00  }
0x4e: {  	[tilespmem:s16], [sflag:$0xF] =	stream.indirect.gather [hbm4b:s4+s20], $0x40, s19, s20, $0xb8;
	[tilespmem:$0x1E800] =	vst v63  }
0x4f: {  	_ =	swait.ge [sflag:s2], $0x100  }
0x50: {  	[sflag:s2] =	ssyncset.done $0x0  }
0x51: {  	s7 =	simm.s32 $0x7;
	s19 =	simm.s32 $0xAA00;
	[sflag:s2] =	ssyncadd.s32 $0xFFFFFF00  }
0x52: {  	[tilespmem:s19], [sflag:$0x10] =	stream.indirect.gather [hbm4b:s4+s20], $0x40, s22, s20, $0xb8;
	[tilespmem:$0x1E800] =	vst v63  }
0x53: {  	_ =	swait.ge [sflag:s7], $0x100  }
0x54: {  	[sflag:s7] =	ssyncset.done $0x0  }
0x55: {  	s2 =	simm.s32 $0x8;
	s22 =	simm.s32 $0xCA00;
	[sflag:s7] =	ssyncadd.s32 $0xFFFFFF00  }
0x56: {  	[tilespmem:s22], [sflag:$0x11] =	stream.indirect.gather [hbm4b:s4+s20], $0x40, s24, s20, $0xb8;
	[tilespmem:$0x1E800] =	vst v63  }
0x57: {  	_ =	swait.ge [sflag:s2], $0x100  }
0x58: {  	[sflag:s2] =	ssyncset.done $0x0  }
0x59: {  	s24 =	simm.s32 $0xEA00;
	[sflag:s2] =	ssyncadd.s32 $0xFFFFFF00  }
0x5a: {  	[tilespmem:s24], [sflag:$0x12] =	stream.indirect.gather [hbm4b:s4+s20], $0x40, s25, s20, $0xb8;
	[tilespmem:$0x1E800] =	vst v63  }
0x5b: {  	_ =	swait.ge [sflag:s28], $0x100  }
0x5c: {  	[sflag:s28] =	ssyncset.done $0x0  }
0x5d: {  	[sflag:s28] =	ssyncadd.s32 $0xFFFFFF00  }
0x5e: {  	[tilespmem:s30], [sflag:$0x13] =	stream.indirect.gather [hbm4b:s4+s20], $0x40, s26, s20, $0xb8;
	[tilespmem:$0x1E800] =	vst v63  }
0x5f: {  	_ =	swait.ge [sflag:s31], $0x100  }
0x60: {  	[sflag:s31] =	ssyncset.done $0x0  }
0x61: {  	s7 =	simm.s32 $0xB;
	s2 =	simm.s32 $0x12A00;
	[sflag:s31] =	ssyncadd.s32 $0xFFFFFF00  }
0x62: {  	[tilespmem:s2], [sflag:$0x14] =	stream.indirect.gather [hbm4b:s4+s20], $0x40, s29, s20, $0xb8;
	[tilespmem:$0x1E800] =	vst v63  }
0x63: {  	_ =	swait.ge [sflag:s7], $0x2000  }
0x64: {  	[sflag:s7] =	ssyncset.done $0x0  }
0x65: {  	[sflag:s7] =	ssyncadd.s32 $0xFFFFE000;
	s7 =	simm.s32 $0xC  }
0x66: {  	[spmem:s1] =	stream.indirect.scatter.add.bf16 [tilespmem:s10], [sflag:$0x15], $0x40, s20, s20, $0xb8;
	[tilespmem:$0x1E800] =	vst v63  }
0x67: {  	_ =	swait.ge [sflag:s7], $0x2000  }
0x68: {  	[sflag:s7] =	ssyncset.done $0x0  }
0x69: {  	s25 =	simm.s32 $0xD;
	s10 =	simm.s32 $0x180;
	[sflag:s7] =	ssyncadd.s32 $0xFFFFE000  }
0x6a: {  	[spmem:s1] =	stream.indirect.scatter.add.bf16 [tilespmem:s12], [sflag:$0x16], $0x40, s10, s20, $0xb8;
	[tilespmem:$0x1E800] =	vst v63  }
0x6b: {  	_ =	swait.ge [sflag:s25], $0x2000  }
0x6c: {  	[sflag:s25] =	ssyncset.done $0x0  }
0x6d: {  	s28 =	simm.s32 $0xE;
	s26 =	simm.s32 $0x280;
	[sflag:s25] =	ssyncadd.s32 $0xFFFFE000  }
0x6e: {  	[spmem:s1] =	stream.indirect.scatter.add.bf16 [tilespmem:s14], [sflag:$0x17], $0x40, s26, s20, $0xb8;
	[tilespmem:$0x1E800] =	vst v63  }
0x6f: {  	_ =	swait.ge [sflag:s28], $0x2000  }
0x70: {  	[sflag:s28] =	ssyncset.done $0x0  }
0x71: {  	s29 =	simm.s32 $0x380;
	s7 =	simm.s32 $0xF;
	[sflag:s28] =	ssyncadd.s32 $0xFFFFE000  }
0x72: {  	[spmem:s1] =	stream.indirect.scatter.add.bf16 [tilespmem:s6], [sflag:$0x18], $0x40, s29, s20, $0xb8;
	[tilespmem:$0x1E800] =	vst v63  }
0x73: {  	_ =	swait.ge [sflag:s7], $0x2000  }
0x74: {  	[sflag:s7] =	ssyncset.done $0x0  }
0x75: {  	s10 =	simm.s32 $0x480;
	s12 =	simm.s32 $0x10;
	[sflag:s7] =	ssyncadd.s32 $0xFFFFE000  }
0x76: {  	[spmem:s1] =	stream.indirect.scatter.add.bf16 [tilespmem:s16], [sflag:$0x19], $0x40, s10, s20, $0xb8;
	[tilespmem:$0x1E800] =	vst v63  }
0x77: {  	_ =	swait.ge [sflag:s12], $0x2000  }
0x78: {  	[sflag:s12] =	ssyncset.done $0x0  }
0x79: {  	s14 =	simm.s32 $0x580;
	s16 =	simm.s32 $0x11;
	[sflag:s12] =	ssyncadd.s32 $0xFFFFE000  }
0x7a: {  	[spmem:s1] =	stream.indirect.scatter.add.bf16 [tilespmem:s19], [sflag:$0x1A], $0x40, s14, s20, $0xb8;
	[tilespmem:$0x1E800] =	vst v63  }
0x7b: {  	_ =	swait.ge [sflag:s16], $0x2000  }
0x7c: {  	[sflag:s16] =	ssyncset.done $0x0  }
0x7d: {  	s19 =	simm.s32 $0x680;
	[sflag:s16] =	ssyncadd.s32 $0xFFFFE000  }
0x7e: {  	[spmem:s1] =	stream.indirect.scatter.add.bf16 [tilespmem:s22], [sflag:$0x1B], $0x40, s19, s20, $0xb8;
	[tilespmem:$0x1E800] =	vst v63  }
0x7f: {  	s22 =	simm.s32 $0x12  }
0x80: {  	_ =	swait.ge [sflag:s22], $0x2000  }
0x81: {  	[sflag:s22] =	ssyncset.done $0x0  }
0x82: {  	s25 =	simm.s32 $0x780;
	[sflag:s22] =	ssyncadd.s32 $0xFFFFE000  }
0x83: {  	[spmem:s1] =	stream.indirect.scatter.add.bf16 [tilespmem:s24], [sflag:$0x1C], $0x40, s25, s20, $0xb8;
	[tilespmem:$0x1E800] =	vst v63  }
0x84: {  	_ =	swait.ge [sflag:s9], $0x2000  }
0x85: {  	[sflag:s9] =	ssyncset.done $0x0  }
0x86: {  	s26 =	rddreg [dreg:$0x6];
	[sflag:s9] =	ssyncadd.s32 $0xFFFFE000  }
0x87: {  	[spmem:s1] =	stream.indirect.scatter.add.bf16 [tilespmem:s30], [sflag:$0x1D], $0x40, s26, s20, $0xb8;
	[tilespmem:$0x1E800] =	vst v63  }
0x88: {  	_ =	swait.ge [sflag:s11], $0x2000  }
0x89: {  	[sflag:s11] =	ssyncset.done $0x0  }
0x8a: {  	s29 =	simm.s32 $0x15;
	s28 =	rddreg [dreg:$0x7];
	[sflag:s11] =	ssyncadd.s32 $0xFFFFE000  }
0x8b: {  	[spmem:s1] =	stream.indirect.scatter.add.bf16 [tilespmem:s2], [sflag:$0x1E], $0x40, s28, s20, $0xb8;
	[tilespmem:$0x1E800] =	vst v63  }
0x8c: {  	_ =	swait.ge [sflag:s29], $0x2000  }
0x8d: {  	[sflag:s29] =	ssyncset.done $0x0  }
0x8e: {  	[sflag:s29] =	ssyncadd.s32 $0xFFFFE000  }
0x8f: {  	_ =	swait.ge [sflag:s13], $0x2000  }
0x90: {  	[sflag:s13] =	ssyncset.done $0x0  }
0x91: {  	[sflag:s13] =	ssyncadd.s32 $0xFFFFE000  }
0x92: {  	_ =	swait.ge [sflag:s15], $0x2000  }
0x93: {  	[sflag:s15] =	ssyncset.done $0x0  }
0x94: {  	[sflag:s15] =	ssyncadd.s32 $0xFFFFE000  }
0x95: {  	_ =	swait.ge [sflag:s17], $0x2000  }
0x96: {  	[sflag:s17] =	ssyncset.done $0x0  }
0x97: {  	[sflag:s17] =	ssyncadd.s32 $0xFFFFE000  }
0x98: {  	_ =	swait.ge [sflag:s18], $0x2000  }
0x99: {  	[sflag:s18] =	ssyncset.done $0x0  }
0x9a: {  	[sflag:s18] =	ssyncadd.s32 $0xFFFFE000  }
0x9b: {  	_ =	swait.ge [sflag:s3], $0x2000  }
0x9c: {  	[sflag:s3] =	ssyncset.done $0x0  }
0x9d: {  	[sflag:s3] =	ssyncadd.s32 $0xFFFFE000  }
0x9e: {  	_ =	swait.ge [sflag:s23], $0x2000  }
0x9f: {  	[sflag:s23] =	ssyncset.done $0x0  }
0xa0: {  	[sflag:s23] =	ssyncadd.s32 $0xFFFFE000  }
0xa1: {  	_ =	swait.ge [sflag:s0], $0x2000  }
0xa2: {  	[sflag:s0] =	ssyncset.done $0x0  }
0xa3: {  	[sflag:s0] =	ssyncadd.s32 $0xFFFFE000  }
0xa4: {  	_ =	swait.ge [sflag:s5], $0x2000  }
0xa5: {  	[sflag:s5] =	ssyncset.done $0x0  }
0xa6: {  	[sflag:s5] =	ssyncadd.s32 $0xFFFFE000  }
0xa7: {  	s10 =	simm.s32 $0x1400;
	_ =	swait.ge [sflag:s8], $0x2000  }
.LBB2_2:
0xa8: {  	s12 =	rddreg [dreg:$0x5];
	s14 =	smov.u32 s10;
	[sflag:s8] =	ssyncset.done $0x0  }
0xa9: {  	s16 =	simm.s32 $0x0;
	s12 =	sadd.s32 s14, s12;
	[sflag:s8] =	ssyncadd.s32 $0xFFFFE000  }
0xaa: {  	[tilespmem:s16], [sflag:$0x1] =	stream.strided.gather [hbm4b:s12+s20], $0x100, s21, s20, $0x38;
	[tilespmem:$0x1E800] =	vst v63  }
0xab: {  	s6 =	simm.s32 $0x100;
	s14 =	sadd.s32 $0x200, s12  }
0xac: {  	[tilespmem:s6], [sflag:$0x2] =	stream.strided.gather [hbm4b:s14+s20], $0x100, s21, s20, $0x38;
	[tilespmem:$0x1E800] =	vst v63  }
0xad: {  	s19 =	simm.s32 $0x200;
	s22 =	sadd.s32 $0x400, s12  }
0xae: {  	[tilespmem:s19], [sflag:$0x3] =	stream.strided.gather [hbm4b:s22+s20], $0x100, s21, s20, $0x38;
	[tilespmem:$0x1E800] =	vst v63  }
0xaf: {  	s24 =	sadd.s32 $0x600, s12;
	s22 =	simm.s32 $0x300  }
0xb0: {  	[tilespmem:s22], [sflag:$0x4] =	stream.strided.gather [hbm4b:s24+s20], $0x100, s21, s20, $0x38;
	[tilespmem:$0x1E800] =	vst v63  }
0xb1: {  	s25 =	sadd.s32 $0x800, s12;
	s24 =	simm.s32 $0x400  }
0xb2: {  	[tilespmem:s24], [sflag:$0x5] =	stream.strided.gather [hbm4b:s25+s20], $0x100, s21, s20, $0x38;
	[tilespmem:$0x1E800] =	vst v63  }
0xb3: {  	s26 =	sadd.s32 $0xA00, s12;
	s25 =	simm.s32 $0x500  }
0xb4: {  	[tilespmem:s25], [sflag:$0x6] =	stream.strided.gather [hbm4b:s26+s20], $0x100, s21, s20, $0x38;
	[tilespmem:$0x1E800] =	vst v63  }
0xb5: {  	s7 =	sadd.s32 $0xC00, s12;
	s26 =	simm.s32 $0x600  }
0xb6: {  	[tilespmem:s26], [sflag:$0x7] =	stream.strided.gather [hbm4b:s7+s20], $0x100, s21, s20, $0x38;
	[tilespmem:$0x1E800] =	vst v63  }
0xb7: {  	s28 =	simm.s32 $0x700;
	s7 =	sadd.s32 $0xE00, s12  }
0xb8: {  	[tilespmem:s28], [sflag:$0x8] =	stream.strided.gather [hbm4b:s7+s20], $0x100, s21, s20, $0x38;
	[tilespmem:$0x1E800] =	vst v63  }
0xb9: {  	s29 =	simm.s32 $0x800;
	s7 =	sadd.s32 $0x1000, s12  }
0xba: {  	[tilespmem:s29], [sflag:$0x9] =	stream.strided.gather [hbm4b:s7+s20], $0x100, s21, s20, $0x38;
	[tilespmem:$0x1E800] =	vst v63  }
0xbb: {  	s14 =	simm.s32 $0x1;
	s12 =	sadd.s32 $0x1200, s12;
	s29 =	simm.s32 $0x900  }
0xbc: {  	[tilespmem:s29], [sflag:$0xA] =	stream.strided.gather [hbm4b:s12+s20], $0x100, s21, s20, $0x38;
	[tilespmem:$0x1E800] =	vst v63  }
0xbd: {  	_ =	swait.ge [sflag:s14], $0x100  }
0xbe: {  	[sflag:s14] =	ssyncset.done $0x0  }
0xbf: {  	s7 =	simm.s32 $0x2;
	s12 =	simm.s32 $0xA00;
	[sflag:s14] =	ssyncadd.s32 $0xFFFFFF00  }
0xc0: {  	[tilespmem:s12], [sflag:$0xB] =	stream.indirect.gather [hbm4b:s4+s20], $0x40, s16, s20, $0xb8;
	[tilespmem:$0x1E800] =	vst v63  }
0xc1: {  	_ =	swait.ge [sflag:s7], $0x100  }
0xc2: {  	[sflag:s7] =	ssyncset.done $0x0  }
0xc3: {  	s14 =	simm.s32 $0x2A00;
	s16 =	simm.s32 $0x3;
	[sflag:s7] =	ssyncadd.s32 $0xFFFFFF00  }
0xc4: {  	[tilespmem:s14], [sflag:$0xC] =	stream.indirect.gather [hbm4b:s4+s20], $0x40, s6, s20, $0xb8;
	[tilespmem:$0x1E800] =	vst v63  }
0xc5: {  	_ =	swait.ge [sflag:s16], $0x100  }
0xc6: {  	[sflag:s16] =	ssyncset.done $0x0  }
0xc7: {  	s6 =	simm.s32 $0x4A00;
	[sflag:s16] =	ssyncadd.s32 $0xFFFFFF00  }
0xc8: {  	[tilespmem:s6], [sflag:$0xD] =	stream.indirect.gather [hbm4b:s4+s20], $0x40, s19, s20, $0xb8;
	[tilespmem:$0x1E800] =	vst v63  }
0xc9: {  	s19 =	simm.s32 $0x4  }
0xca: {  	_ =	swait.ge [sflag:s19], $0x100  }
0xcb: {  	[sflag:s19] =	ssyncset.done $0x0  }
0xcc: {  	s16 =	simm.s32 $0x6A00;
	[sflag:s19] =	ssyncadd.s32 $0xFFFFFF00  }
0xcd: {  	[tilespmem:s16], [sflag:$0xE] =	stream.indirect.gather [hbm4b:s4+s20], $0x40, s22, s20, $0xb8;
	[tilespmem:$0x1E800] =	vst v63  }
0xce: {  	s22 =	simm.s32 $0x5  }
0xcf: {  	_ =	swait.ge [sflag:s22], $0x100  }
0xd0: {  	[sflag:s22] =	ssyncset.done $0x0  }
0xd1: {  	s19 =	simm.s32 $0x8A00;
	[sflag:s22] =	ssyncadd.s32 $0xFFFFFF00  }
0xd2: {  	[tilespmem:s19], [sflag:$0xF] =	stream.indirect.gather [hbm4b:s4+s20], $0x40, s24, s20, $0xb8;
	[tilespmem:$0x1E800] =	vst v63  }
0xd3: {  	s24 =	simm.s32 $0x6  }
0xd4: {  	_ =	swait.ge [sflag:s24], $0x100  }
0xd5: {  	[sflag:s24] =	ssyncset.done $0x0  }
0xd6: {  	s22 =	simm.s32 $0xAA00;
	[sflag:s24] =	ssyncadd.s32 $0xFFFFFF00  }
0xd7: {  	[tilespmem:s22], [sflag:$0x10] =	stream.indirect.gather [hbm4b:s4+s20], $0x40, s25, s20, $0xb8;
	[tilespmem:$0x1E800] =	vst v63  }
0xd8: {  	s25 =	simm.s32 $0x7  }
0xd9: {  	_ =	swait.ge [sflag:s25], $0x100  }
0xda: {  	[sflag:s25] =	ssyncset.done $0x0  }
0xdb: {  	s7 =	simm.s32 $0x8;
	s24 =	simm.s32 $0xCA00;
	[sflag:s25] =	ssyncadd.s32 $0xFFFFFF00  }
0xdc: {  	[tilespmem:s24], [sflag:$0x11] =	stream.indirect.gather [hbm4b:s4+s20], $0x40, s26, s20, $0xb8;
	[tilespmem:$0x1E800] =	vst v63  }
0xdd: {  	_ =	swait.ge [sflag:s7], $0x100  }
0xde: {  	[sflag:s7] =	ssyncset.done $0x0  }
0xdf: {  	s25 =	simm.s32 $0xEA00;
	[sflag:s7] =	ssyncadd.s32 $0xFFFFFF00  }
0xe0: {  	[tilespmem:s25], [sflag:$0x12] =	stream.indirect.gather [hbm4b:s4+s20], $0x40, s28, s20, $0xb8;
	[tilespmem:$0x1E800] =	vst v63  }
0xe1: {  	s28 =	simm.s32 $0x9  }
0xe2: {  	_ =	swait.ge [sflag:s28], $0x100  }
0xe3: {  	[sflag:s28] =	ssyncset.done $0x0  }
0xe4: {  	s26 =	simm.s32 $0x800;
	[sflag:s28] =	ssyncadd.s32 $0xFFFFFF00  }
0xe5: {  	[tilespmem:s30], [sflag:$0x13] =	stream.indirect.gather [hbm4b:s4+s20], $0x40, s26, s20, $0xb8;
	[tilespmem:$0x1E800] =	vst v63  }
0xe6: {  	_ =	swait.ge [sflag:s31], $0x100  }
0xe7: {  	[sflag:s31] =	ssyncset.done $0x0  }
0xe8: {  	s7 =	simm.s32 $0xB;
	[sflag:s31] =	ssyncadd.s32 $0xFFFFFF00  }
0xe9: {  	[tilespmem:s2], [sflag:$0x14] =	stream.indirect.gather [hbm4b:s4+s20], $0x40, s29, s20, $0xb8;
	[tilespmem:$0x1E800] =	vst v63  }
0xea: {  	_ =	swait.ge [sflag:s7], $0x2000  }
0xeb: {  	[sflag:s7] =	ssyncset.done $0x0  }
0xec: {  	[sflag:s7] =	ssyncadd.s32 $0xFFFFE000  }
0xed: {  	[spmem:s1] =	stream.indirect.scatter.add.bf16 [tilespmem:s12], [sflag:$0x15], $0x40, s20, s20, $0xb8;
	[tilespmem:$0x1E800] =	vst v63  }
0xee: {  	s12 =	simm.s32 $0xC  }
0xef: {  	_ =	swait.ge [sflag:s12], $0x2000  }
0xf0: {  	[sflag:s12] =	ssyncset.done $0x0  }
0xf1: {  	[sflag:s12] =	ssyncadd.s32 $0xFFFFE000;
	s12 =	simm.s32 $0x180  }
0xf2: {  	[spmem:s1] =	stream.indirect.scatter.add.bf16 [tilespmem:s14], [sflag:$0x16], $0x40, s12, s20, $0xb8;
	[tilespmem:$0x1E800] =	vst v63  }
0xf3: {  	s12 =	simm.s32 $0xD  }
0xf4: {  	_ =	swait.ge [sflag:s12], $0x2000  }
0xf5: {  	[sflag:s12] =	ssyncset.done $0x0  }
0xf6: {  	s7 =	simm.s32 $0xE;
	s14 =	simm.s32 $0x280;
	[sflag:s12] =	ssyncadd.s32 $0xFFFFE000  }
0xf7: {  	[spmem:s1] =	stream.indirect.scatter.add.bf16 [tilespmem:s6], [sflag:$0x17], $0x40, s14, s20, $0xb8;
	[tilespmem:$0x1E800] =	vst v63  }
0xf8: {  	_ =	swait.ge [sflag:s7], $0x2000  }
0xf9: {  	[sflag:s7] =	ssyncset.done $0x0  }
0xfa: {  	s12 =	simm.s32 $0x380;
	s14 =	simm.s32 $0xF;
	[sflag:s7] =	ssyncadd.s32 $0xFFFFE000  }
0xfb: {  	[spmem:s1] =	stream.indirect.scatter.add.bf16 [tilespmem:s16], [sflag:$0x18], $0x40, s12, s20, $0xb8;
	[tilespmem:$0x1E800] =	vst v63  }
0xfc: {  	_ =	swait.ge [sflag:s14], $0x2000  }
0xfd: {  	[sflag:s14] =	ssyncset.done $0x0  }
0xfe: {  	s16 =	simm.s32 $0x480;
	[sflag:s14] =	ssyncadd.s32 $0xFFFFE000  }
0xff: {  	[spmem:s1] =	stream.indirect.scatter.add.bf16 [tilespmem:s19], [sflag:$0x19], $0x40, s16, s20, $0xb8;
	[tilespmem:$0x1E800] =	vst v63  }
0x100: {  	s19 =	simm.s32 $0x10  }
0x101: {  	_ =	swait.ge [sflag:s19], $0x2000  }
0x102: {  	[sflag:s19] =	ssyncset.done $0x0  }
0x103: {  	s7 =	simm.s32 $0x580;
	s12 =	simm.s32 $0x11;
	[sflag:s19] =	ssyncadd.s32 $0xFFFFE000  }
0x104: {  	[spmem:s1] =	stream.indirect.scatter.add.bf16 [tilespmem:s22], [sflag:$0x1A], $0x40, s7, s20, $0xb8;
	[tilespmem:$0x1E800] =	vst v63  }
0x105: {  	_ =	swait.ge [sflag:s12], $0x2000  }
0x106: {  	[sflag:s12] =	ssyncset.done $0x0  }
0x107: {  	s14 =	simm.s32 $0x680;
	s16 =	simm.s32 $0x12;
	[sflag:s12] =	ssyncadd.s32 $0xFFFFE000  }
0x108: {  	[spmem:s1] =	stream.indirect.scatter.add.bf16 [tilespmem:s24], [sflag:$0x1B], $0x40, s14, s20, $0xb8;
	[tilespmem:$0x1E800] =	vst v63  }
0x109: {  	_ =	swait.ge [sflag:s16], $0x2000  }
0x10a: {  	[sflag:s16] =	ssyncset.done $0x0  }
0x10b: {  	s19 =	simm.s32 $0x780;
	[sflag:s16] =	ssyncadd.s32 $0xFFFFE000  }
0x10c: {  	[spmem:s1] =	stream.indirect.scatter.add.bf16 [tilespmem:s25], [sflag:$0x1C], $0x40, s19, s20, $0xb8;
	[tilespmem:$0x1E800] =	vst v63  }
0x10d: {  	_ =	swait.ge [sflag:s9], $0x2000  }
0x10e: {  	[sflag:s9] =	ssyncset.done $0x0  }
0x10f: {  	s22 =	rddreg [dreg:$0x6];
	[sflag:s9] =	ssyncadd.s32 $0xFFFFE000  }
0x110: {  	[spmem:s1] =	stream.indirect.scatter.add.bf16 [tilespmem:s30], [sflag:$0x1D], $0x40, s22, s20, $0xb8;
	[tilespmem:$0x1E800] =	vst v63  }
0x111: {  	_ =	swait.ge [sflag:s11], $0x2000  }
0x112: {  	[sflag:s11] =	ssyncset.done $0x0  }
0x113: {  	s25 =	simm.s32 $0x15;
	s24 =	rddreg [dreg:$0x7];
	[sflag:s11] =	ssyncadd.s32 $0xFFFFE000  }
0x114: {  	[spmem:s1] =	stream.indirect.scatter.add.bf16 [tilespmem:s2], [sflag:$0x1E], $0x40, s24, s20, $0xb8;
	[tilespmem:$0x1E800] =	vst v63  }
0x115: {  	_ =	swait.ge [sflag:s25], $0x2000  }
0x116: {  	[sflag:s25] =	ssyncset.done $0x0  }
0x117: {  	[sflag:s25] =	ssyncadd.s32 $0xFFFFE000  }
0x118: {  	_ =	swait.ge [sflag:s13], $0x2000  }
0x119: {  	[sflag:s13] =	ssyncset.done $0x0  }
0x11a: {  	[sflag:s13] =	ssyncadd.s32 $0xFFFFE000  }
0x11b: {  	_ =	swait.ge [sflag:s15], $0x2000  }
0x11c: {  	[sflag:s15] =	ssyncset.done $0x0  }
0x11d: {  	[sflag:s15] =	ssyncadd.s32 $0xFFFFE000  }
0x11e: {  	_ =	swait.ge [sflag:s17], $0x2000  }
0x11f: {  	[sflag:s17] =	ssyncset.done $0x0  }
0x120: {  	[sflag:s17] =	ssyncadd.s32 $0xFFFFE000  }
0x121: {  	_ =	swait.ge [sflag:s18], $0x2000  }
0x122: {  	[sflag:s18] =	ssyncset.done $0x0  }
0x123: {  	[sflag:s18] =	ssyncadd.s32 $0xFFFFE000  }
0x124: {  	_ =	swait.ge [sflag:s3], $0x2000  }
0x125: {  	[sflag:s3] =	ssyncset.done $0x0  }
0x126: {  	[sflag:s3] =	ssyncadd.s32 $0xFFFFE000  }
0x127: {  	_ =	swait.ge [sflag:s23], $0x2000  }
0x128: {  	[sflag:s23] =	ssyncset.done $0x0  }
0x129: {  	[sflag:s23] =	ssyncadd.s32 $0xFFFFE000  }
0x12a: {  	_ =	swait.ge [sflag:s0], $0x2000  }
0x12b: {  	p1 =	sne.s32 s10, $0x7800;
	[sflag:s0] =	ssyncset.done $0x0  }
.Ltmp0:
0x12c: {  	[sflag:s0] =	ssyncadd.s32 $0xFFFFE000;
	(pc) =	sbr.rel @p1 .LBB2_2-.Ltmp0, $4  }
0x12d: {  	_ =	swait.ge [sflag:s5], $0x2000  }
0x12e: {  	[sflag:s5] =	ssyncset.done $0x0  }
0x12f: {  	[sflag:s5] =	ssyncadd.s32 $0xFFFFE000  }
0x130: {  	s10 =	sadd.s32 $0x1400, s10;
	_ =	swait.ge [sflag:s8], $0x2000  }
0x131: {  	[sflag:s8] =	ssyncset.done $0x0  }
0x132: {  	s10 =	simm.s32 $0x0;
	s12 =	rddreg [dreg:$0xa];
	[sflag:s8] =	ssyncadd.s32 $0xFFFFE000  }
0x133: {  	[tilespmem:s10], [sflag:$0x1] =	stream.strided.gather [hbm4b:s12+s20], $0x100, s21, s20, $0x38;
	[tilespmem:$0x1E800] =	vst v63  }
0x134: {  	s14 =	rddreg [dreg:$0xb];
	s6 =	simm.s32 $0x100  }
0x135: {  	[tilespmem:s6], [sflag:$0x2] =	stream.strided.gather [hbm4b:s14+s20], $0x100, s21, s20, $0x38;
	[tilespmem:$0x1E800] =	vst v63  }
0x136: {  	s16 =	rddreg [dreg:$0xc];
	s14 =	simm.s32 $0x200  }
0x137: {  	[tilespmem:s14], [sflag:$0x3] =	stream.strided.gather [hbm4b:s16+s20], $0x100, s21, s20, $0x38;
	[tilespmem:$0x1E800] =	vst v63  }
0x138: {  	s19 =	rddreg [dreg:$0xd];
	s16 =	simm.s32 $0x300  }
0x139: {  	[tilespmem:s16], [sflag:$0x4] =	stream.strided.gather [hbm4b:s19+s20], $0x100, s21, s20, $0x38;
	[tilespmem:$0x1E800] =	vst v63  }
0x13a: {  	s22 =	rddreg [dreg:$0xe];
	s19 =	simm.s32 $0x400  }
0x13b: {  	[tilespmem:s19], [sflag:$0x5] =	stream.strided.gather [hbm4b:s22+s20], $0x100, s21, s20, $0x38;
	[tilespmem:$0x1E800] =	vst v63  }
0x13c: {  	s24 =	rddreg [dreg:$0xf];
	s22 =	simm.s32 $0x500  }
0x13d: {  	[tilespmem:s22], [sflag:$0x6] =	stream.strided.gather [hbm4b:s24+s20], $0x100, s21, s20, $0x38;
	[tilespmem:$0x1E800] =	vst v63  }
0x13e: {  	s25 =	rddreg [dreg:$0x10];
	s24 =	simm.s32 $0x600  }
0x13f: {  	[tilespmem:s24], [sflag:$0x7] =	stream.strided.gather [hbm4b:s25+s20], $0x100, s21, s20, $0x38;
	[tilespmem:$0x1E800] =	vst v63  }
0x140: {  	s2 =	rddreg [dreg:$0x11];
	s7 =	simm.s32 $0x1;
	s25 =	simm.s32 $0x700  }
0x141: {  	[tilespmem:s25], [sflag:$0x8] =	stream.strided.gather [hbm4b:s2+s20], $0x100, s21, s20, $0x38;
	[tilespmem:$0x1E800] =	vst v63  }
0x142: {  	_ =	swait.ge [sflag:s7], $0x100  }
0x143: {  	[sflag:s7] =	ssyncset.done $0x0  }
0x144: {  	s12 =	simm.s32 $0xA00;
	s2 =	simm.s32 $0x2;
	[sflag:s7] =	ssyncadd.s32 $0xFFFFFF00  }
0x145: {  	[tilespmem:s12], [sflag:$0xB] =	stream.indirect.gather [hbm4b:s4+s20], $0x40, s10, s20, $0xb8;
	[tilespmem:$0x1E800] =	vst v63  }
0x146: {  	_ =	swait.ge [sflag:s2], $0x100  }
0x147: {  	[sflag:s2] =	ssyncset.done $0x0  }
0x148: {  	s7 =	simm.s32 $0x3;
	s10 =	simm.s32 $0x2A00;
	[sflag:s2] =	ssyncadd.s32 $0xFFFFFF00  }
0x149: {  	[tilespmem:s10], [sflag:$0xC] =	stream.indirect.gather [hbm4b:s4+s20], $0x40, s6, s20, $0xb8;
	[tilespmem:$0x1E800] =	vst v63  }
0x14a: {  	_ =	swait.ge [sflag:s7], $0x100  }
0x14b: {  	[sflag:s7] =	ssyncset.done $0x0  }
0x14c: {  	s2 =	simm.s32 $0x4;
	s6 =	simm.s32 $0x4A00;
	[sflag:s7] =	ssyncadd.s32 $0xFFFFFF00  }
0x14d: {  	[tilespmem:s6], [sflag:$0xD] =	stream.indirect.gather [hbm4b:s4+s20], $0x40, s14, s20, $0xb8;
	[tilespmem:$0x1E800] =	vst v63  }
0x14e: {  	_ =	swait.ge [sflag:s2], $0x100  }
0x14f: {  	[sflag:s2] =	ssyncset.done $0x0  }
0x150: {  	s7 =	simm.s32 $0x5;
	s14 =	simm.s32 $0x6A00;
	[sflag:s2] =	ssyncadd.s32 $0xFFFFFF00  }
0x151: {  	[tilespmem:s14], [sflag:$0xE] =	stream.indirect.gather [hbm4b:s4+s20], $0x40, s16, s20, $0xb8;
	[tilespmem:$0x1E800] =	vst v63  }
0x152: {  	_ =	swait.ge [sflag:s7], $0x100  }
0x153: {  	[sflag:s7] =	ssyncset.done $0x0  }
0x154: {  	s2 =	simm.s32 $0x6;
	s16 =	simm.s32 $0x8A00;
	[sflag:s7] =	ssyncadd.s32 $0xFFFFFF00  }
0x155: {  	[tilespmem:s16], [sflag:$0xF] =	stream.indirect.gather [hbm4b:s4+s20], $0x40, s19, s20, $0xb8;
	[tilespmem:$0x1E800] =	vst v63  }
0x156: {  	_ =	swait.ge [sflag:s2], $0x100  }
0x157: {  	[sflag:s2] =	ssyncset.done $0x0  }
0x158: {  	s7 =	simm.s32 $0x7;
	s19 =	simm.s32 $0xAA00;
	[sflag:s2] =	ssyncadd.s32 $0xFFFFFF00  }
0x159: {  	[tilespmem:s19], [sflag:$0x10] =	stream.indirect.gather [hbm4b:s4+s20], $0x40, s22, s20, $0xb8;
	[tilespmem:$0x1E800] =	vst v63  }
0x15a: {  	_ =	swait.ge [sflag:s7], $0x100  }
0x15b: {  	[sflag:s7] =	ssyncset.done $0x0  }
0x15c: {  	s2 =	simm.s32 $0x8;
	s22 =	simm.s32 $0xCA00;
	[sflag:s7] =	ssyncadd.s32 $0xFFFFFF00  }
0x15d: {  	[tilespmem:s22], [sflag:$0x11] =	stream.indirect.gather [hbm4b:s4+s20], $0x40, s24, s20, $0xb8;
	[tilespmem:$0x1E800] =	vst v63  }
0x15e: {  	_ =	swait.ge [sflag:s2], $0x100  }
0x15f: {  	[sflag:s2] =	ssyncset.done $0x0  }
0x160: {  	s24 =	simm.s32 $0xEA00;
	[sflag:s2] =	ssyncadd.s32 $0xFFFFFF00;
	s2 =	simm.s32 $0xB  }
0x161: {  	[tilespmem:s24], [sflag:$0x12] =	stream.indirect.gather [hbm4b:s4+s20], $0x40, s25, s20, $0xb8;
	[tilespmem:$0x1E800] =	vst v63  }
0x162: {  	_ =	swait.ge [sflag:s2], $0x2000  }
0x163: {  	[sflag:s2] =	ssyncset.done $0x0  }
0x164: {  	s7 =	simm.s32 $0xC;
	[sflag:s2] =	ssyncadd.s32 $0xFFFFE000  }
0x165: {  	[spmem:s1] =	stream.indirect.scatter.add.bf16 [tilespmem:s12], [sflag:$0x15], $0x40, s20, s20, $0xb8;
	[tilespmem:$0x1E800] =	vst v63  }
0x166: {  	_ =	swait.ge [sflag:s7], $0x2000  }
0x167: {  	[sflag:s7] =	ssyncset.done $0x0  }
0x168: {  	s25 =	simm.s32 $0xD;
	s12 =	simm.s32 $0x180;
	[sflag:s7] =	ssyncadd.s32 $0xFFFFE000  }
0x169: {  	[spmem:s1] =	stream.indirect.scatter.add.bf16 [tilespmem:s10], [sflag:$0x16], $0x40, s12, s20, $0xb8;
	[tilespmem:$0x1E800] =	vst v63  }
0x16a: {  	_ =	swait.ge [sflag:s25], $0x2000  }
0x16b: {  	[sflag:s25] =	ssyncset.done $0x0  }
0x16c: {  	s7 =	simm.s32 $0x280;
	s10 =	simm.s32 $0xE;
	[sflag:s25] =	ssyncadd.s32 $0xFFFFE000  }
0x16d: {  	[spmem:s1] =	stream.indirect.scatter.add.bf16 [tilespmem:s6], [sflag:$0x17], $0x40, s7, s20, $0xb8;
	[tilespmem:$0x1E800] =	vst v63  }
0x16e: {  	_ =	swait.ge [sflag:s10], $0x2000  }
0x16f: {  	[sflag:s10] =	ssyncset.done $0x0  }
0x170: {  	s12 =	simm.s32 $0x380;
	[sflag:s10] =	ssyncadd.s32 $0xFFFFE000  }
0x171: {  	[spmem:s1] =	stream.indirect.scatter.add.bf16 [tilespmem:s14], [sflag:$0x18], $0x40, s12, s20, $0xb8;
	[tilespmem:$0x1E800] =	vst v63  }
0x172: {  	s14 =	simm.s32 $0xF  }
0x173: {  	_ =	swait.ge [sflag:s14], $0x2000  }
0x174: {  	[sflag:s14] =	ssyncset.done $0x0  }
0x175: {  	s25 =	simm.s32 $0x480;
	s6 =	simm.s32 $0x10;
	[sflag:s14] =	ssyncadd.s32 $0xFFFFE000  }
0x176: {  	[spmem:s1] =	stream.indirect.scatter.add.bf16 [tilespmem:s16], [sflag:$0x19], $0x40, s25, s20, $0xb8;
	[tilespmem:$0x1E800] =	vst v63  }
0x177: {  	_ =	swait.ge [sflag:s6], $0x2000  }
0x178: {  	[sflag:s6] =	ssyncset.done $0x0  }
0x179: {  	s7 =	simm.s32 $0x580;
	s10 =	simm.s32 $0x11;
	[sflag:s6] =	ssyncadd.s32 $0xFFFFE000  }
0x17a: {  	[spmem:s1] =	stream.indirect.scatter.add.bf16 [tilespmem:s19], [sflag:$0x1A], $0x40, s7, s20, $0xb8;
	[tilespmem:$0x1E800] =	vst v63  }
0x17b: {  	_ =	swait.ge [sflag:s10], $0x2000  }
0x17c: {  	[sflag:s10] =	ssyncset.done $0x0  }
0x17d: {  	s12 =	simm.s32 $0x680;
	s14 =	simm.s32 $0x12;
	[sflag:s10] =	ssyncadd.s32 $0xFFFFE000  }
0x17e: {  	[spmem:s1] =	stream.indirect.scatter.add.bf16 [tilespmem:s22], [sflag:$0x1B], $0x40, s12, s20, $0xb8;
	[tilespmem:$0x1E800] =	vst v63  }
0x17f: {  	_ =	swait.ge [sflag:s14], $0x2000  }
0x180: {  	[sflag:s14] =	ssyncset.done $0x0  }
0x181: {  	s16 =	simm.s32 $0x780;
	s19 =	simm.s32 $0x15;
	[sflag:s14] =	ssyncadd.s32 $0xFFFFE000  }
0x182: {  	[spmem:s1] =	stream.indirect.scatter.add.bf16 [tilespmem:s24], [sflag:$0x1C], $0x40, s16, s20, $0xb8;
	[tilespmem:$0x1E800] =	vst v63  }
0x183: {  	_ =	swait.ge [sflag:s19], $0x2000  }
0x184: {  	[sflag:s19] =	ssyncset.done $0x0  }
0x185: {  	[sflag:s19] =	ssyncadd.s32 $0xFFFFE000  }
0x186: {  	_ =	swait.ge [sflag:s13], $0x2000  }
0x187: {  	[sflag:s13] =	ssyncset.done $0x0  }
0x188: {  	[sflag:s13] =	ssyncadd.s32 $0xFFFFE000  }
0x189: {  	_ =	swait.ge [sflag:s15], $0x2000  }
0x18a: {  	[sflag:s15] =	ssyncset.done $0x0  }
0x18b: {  	[sflag:s15] =	ssyncadd.s32 $0xFFFFE000  }
0x18c: {  	_ =	swait.ge [sflag:s17], $0x2000  }
0x18d: {  	[sflag:s17] =	ssyncset.done $0x0  }
0x18e: {  	[sflag:s17] =	ssyncadd.s32 $0xFFFFE000  }
0x18f: {  	_ =	swait.ge [sflag:s18], $0x2000  }
0x190: {  	[sflag:s18] =	ssyncset.done $0x0  }
0x191: {  	[sflag:s18] =	ssyncadd.s32 $0xFFFFE000  }
0x192: {  	_ =	swait.ge [sflag:s3], $0x2000  }
0x193: {  	[sflag:s3] =	ssyncset.done $0x0  }
0x194: {  	[sflag:s3] =	ssyncadd.s32 $0xFFFFE000  }
0x195: {  	_ =	swait.ge [sflag:s23], $0x2000  }
0x196: {  	[sflag:s23] =	ssyncset.done $0x0  }
0x197: {  	[sflag:s23] =	ssyncadd.s32 $0xFFFFE000  }
0x198: {  	_ =	swait.ge [sflag:s0], $0x2000  }
0x199: {  	s2 =	simm.s32 @!p0 $0x0;
	s12 =	simm.s32 @!p0 $0x4E200;
	[sflag:s0] =	ssyncset.done $0x0  }
0x19a: {  	s14 =	simm.s32 @!p0 $0x80;
	s10 =	rddreg [dreg:$0x12];
	[sflag:s0] =	ssyncadd.s32 $0xFFFFE000  }
0x19b: {  	[tilespmem:s2], [sflag:$0x1F] =	stream.strided.gather @!p0 [hbm4b:s10+s14], $0x100, s12, s14, $0x38;
	[tilespmem:$0x1E800] =	vst v63  }
0x19c: {  	s12 =	simm.s32 @!p0 $0x1F  }
0x19d: {  	_ =	swait.ge @!p0 [sflag:s12], $0x100  }
0x19e: {  	[sflag:s12] =	ssyncset.done @!p0 $0x0  }
0x19f: {  	s6 =	simm.s32 @!p0 $0xA00;
	s10 =	simm.s32 @!p0 $0xB;
	[sflag:s12] =	ssyncadd.s32 @!p0 $0xFFFFFF00  }
0x1a0: {  	[tilespmem:s6], [sflag:$0xB] =	stream.indirect.gather @!p0 [hbm4b:s4+s14], $0x40, s2, s14, $0xb8;
	[tilespmem:$0x1E800] =	vst v63  }
0x1a1: {  	_ =	swait.ge @!p0 [sflag:s10], $0x2000  }
0x1a2: {  	[sflag:s10] =	ssyncset.done @!p0 $0x0  }
0x1a3: {  	[sflag:s10] =	ssyncadd.s32 @!p0 $0xFFFFE000  }
0x1a4: {  	[spmem:s1] =	stream.indirect.scatter.add.bf16 @!p0 [tilespmem:s6], [sflag:$0x1F], $0x40, s14, s14, $0xb8;
	[tilespmem:$0x1E800] =	vst v63  }
0x1a5: {  	_ =	swait.ge @!p0 [sflag:s12], $0x2000  }
0x1a6: {  	[sflag:s12] =	ssyncset.done @!p0 $0x0  }
0x1a7: {  	[sflag:s12] =	ssyncadd.s32 @!p0 $0xFFFFE000  }
0x1a8: {  	[bflag:$0x0] =	sbarrier.arrive $0xFFFF  }
0x1a9: {  	s12 =	rddreg [dreg:$0x9]  }
0x1aa: {  	s22 =	rddreg [dreg:$0x13]  }
0x1ab: {  	s16 =	simm.s32 $0x1F;
	s14 =	rddreg [dreg:$0x15]  }
0x1ac: {  	[hbm:s22], [sflag:s12] =	dma.local [spmem:s14], $0x13C0  }
0x1ad: {  	_ =	swait.ge [sflag:s16], $0x13C0  }
0x1ae: {  	s24 =	rddreg [dreg:$0x16]  }
0x1af: {  	s25 =	rddreg [dreg:$0x14];
	s2 =	sadd.s32 $0x1, s24  }
0x1b0: {  	p1 =	sne.s32 s2, s25  }
.Ltmp1:
0x1b1: {  	_ = 	snop;
	(pc) =	sbr.rel @p1 .LBB2_1-.Ltmp1, $3  }
0x1b2: {  	_ =	sdelay $0x1  }
0x1b3: {  	[sflag:s16] =	ssyncset.done $0x0  }
0x1b4: {  	[sflag:s16] =	ssyncadd.s32 $0xFFFFEC40  }
0x1b5: {  	_ =	sfence.sel $0x180000  }
0x1b6: {  	[bflag:$0x0] =	sbarrier.arrive $0xFFFF  }
0x1b7: {  	_ =	strace $0x90000047  }
0x1b8: {  	s0 =	stileid.u32;
	[bflag:$0x2] =	sbarrier.arrive $0xFFFF  }
0x1b9: {  	p0 =	sne.s32 s0, $0x0;
	s0 =	rddreg [dreg:$0x4]  }
0x1ba: {  	s0 =	sadd.s32 @!p0 $0x100000, s0  }
0x1bb: {  	[sflag:s0] =	ssyncadd.tile.s32 @!p0 $0x1;
	_ =	shalt  }
.Lfunc_end2:
_tile_overlayer_lowered:
.L_overlay_start_2:
0x1bc: {  	(tag) =	ssettag $0x2  }
0x1bd: {  	s0 =	rddreg [dreg:$0x0];
	s2 =	stileid.u32  }
0x1be: {  	s1 =	rddreg [dreg:$0x1];
	p0 =	sne.s32 s2, $0x0  }
0x1bf: {  	s3 =	rddreg [dreg:$0x2];
	[bflag:$0x3] =	sbarrier.arrive $0xFFFF;
	s2 =	simm.s32 @!p0 $0x1C1F  }
0x1c0: {  	[timem:s3], [sflag:s2] =	dma.local @!p0 [hbm:s0], s1  }
0x1c1: {  	s0 =	simm.s32 @!p0 $0x1F  }
0x1c2: {  	_ =	swait.ge @!p0 [sflag:s0], s1  }
0x1c3: {  	s1 =	ssub.s32 @!p0 $0x0, s1;
	[sflag:s0] =	ssyncset.done @!p0 $0x0  }
0x1c4: {  	[sflag:s0] =	ssyncadd.s32 @!p0 s1  }
0x1c5: {  	[bflag:$0x3] =	sbarrier.arrive $0xFFFF  }
0x1c6: {  	_ =	shalt  }

</sc_bundles>
